<compile_context>
chip_gen: v7x
topology: tpu7x:2x2x1
jax: 0.10.2.dev20260603
libtpu: 0.0.44.dev20260713+nightly
codegen_flags: <defaults>
</compile_context>

<pallas_src>
import functools

import jax
import jax.numpy as jnp
from jax import lax
from jax.experimental import pallas as pl
from jax.experimental.pallas import tpu as pltpu
from jax.experimental.pallas import tpu_sc as plsc

N = 10000
E = 320000
D = 128
H = 128
T = 32
CH = D // T
V_TH = 0.005
EPS = 1e-5

NC = 2
NS = 16
NPAD = 10240
EPAD = 327680
ECHUNKS = EPAD // 128
RPT = NPAD // NS
CPT = EPAD // (NC * NS) // 128

_SC_MESH = plsc.VectorSubcoreMesh(core_axis_name="c", subcore_axis_name="s")


def _deg_body(dst2d, ones_hbm, zr_hbm, out_hbm, accum, dstv, onesv):
  c = lax.axis_index("c")
  s = lax.axis_index("s")
  wid = c * NS + s
  pltpu.sync_copy(zr_hbm, accum.at[pl.ds(s * RPT, RPT)])
  pltpu.sync_copy(ones_hbm, onesv)
  pltpu.sync_copy(dst2d.at[pl.ds(wid * CPT, CPT)], dstv)
  plsc.subcore_barrier()

  @pl.loop(0, CPT)
  def _(j):
    pltpu.sync_copy(onesv, accum.at[dstv.at[j]], add=True)

  plsc.subcore_barrier()
  pltpu.sync_copy(accum.at[pl.ds(s * RPT, RPT)],
                  out_hbm.at[pl.ds(c * NPAD + s * RPT, RPT)])


_deg = pl.kernel(
    _deg_body,
    out_type=jax.ShapeDtypeStruct((2 * NPAD, D), jnp.float32),
    mesh=_SC_MESH,
    scratch_types=[
        pltpu.VMEM_SHARED((NPAD, D), jnp.float32),
        pltpu.VMEM((CPT, 128), jnp.int32),
        pltpu.VMEM((128, D), jnp.float32),
    ],
)


GRP = 8
NG = CPT // GRP


def _prop_body(hs_hbm, src2d, dst2d, zr_hbm, out_hbm,
               accum, srcv, dstv, rows, g0, g1):
  c = lax.axis_index("c")
  s = lax.axis_index("s")
  wid = c * NS + s
  base = wid * CPT
  pltpu.sync_copy(zr_hbm, accum.at[pl.ds(s * RPT, RPT)])
  gsem = [g0, g1]
  plsc.subcore_barrier()

  @pl.loop(0, NG)
  def _(grp):
    gbase = base + grp * GRP
    pltpu.sync_copy(src2d.at[pl.ds(gbase, GRP)], srcv)
    pltpu.sync_copy(dst2d.at[pl.ds(gbase, GRP)], dstv)
    for b in range(2):
      pltpu.async_copy(hs_hbm.at[srcv.at[b]], rows.at[b], gsem[b])

    @pl.loop(0, GRP, step=2)
    def _(j):
      for b in range(2):
        jj = j + b
        pltpu.make_async_copy(hs_hbm.at[srcv.at[jj]], rows.at[b],
                              gsem[b]).wait()
        pltpu.sync_copy(rows.at[b], accum.at[dstv.at[jj]], add=True)

        @pl.when(jj + 2 < GRP)
        def _():
          pltpu.async_copy(hs_hbm.at[srcv.at[jj + 2]], rows.at[b], gsem[b])

  plsc.subcore_barrier()
  pltpu.sync_copy(accum.at[pl.ds(s * RPT, RPT)],
                  out_hbm.at[pl.ds(c * NPAD + s * RPT, RPT)])


_prop = pl.kernel(
    _prop_body,
    out_type=jax.ShapeDtypeStruct((2 * NPAD, D), jnp.float32),
    mesh=_SC_MESH,
    scratch_types=[
        pltpu.VMEM_SHARED((NPAD, D), jnp.float32),
        pltpu.VMEM((GRP, 128), jnp.int32),
        pltpu.VMEM((GRP, 128), jnp.int32),
        pltpu.VMEM((2, 128, D), jnp.float32),
        pltpu.SemaphoreType.DMA,
        pltpu.SemaphoreType.DMA,
    ],
)


_TC_PARAMS = pltpu.CompilerParams(vmem_limit_bytes=120 * 1024 * 1024)


def _bf16_trunc(x):
  return x.astype(jnp.bfloat16).astype(jnp.float32)


def _row_mask():
  return (lax.broadcasted_iota(jnp.int32, (NPAD, 1), 0) < N).astype(
      jnp.float32)


def _p1_body(x_ref, degp_ref, g_ref, b_ref, u_ref, dinv_ref):
  dp = degp_ref[...]
  deg = dp[:NPAD, 0:1] + dp[NPAD:, 0:1] + 1.0
  dinv = lax.rsqrt(deg)
  x = x_ref[...]
  mask = _row_mask()
  m = jnp.sum(x, axis=0, keepdims=True) * (1.0 / N)
  cm = (x - m) * mask
  var = jnp.sum(cm * cm, axis=0, keepdims=True) * (1.0 / N)
  sc = g_ref[...] * lax.rsqrt(var + EPS)
  sh = b_ref[...] - m * sc
  xb = _bf16_trunc(x * sc + sh)
  u_ref[...] = xb * dinv * mask
  dinv_ref[...] = dinv


_p1 = pl.pallas_call(
    _p1_body,
    out_shape=(jax.ShapeDtypeStruct((NPAD, D), jnp.float32),
               jax.ShapeDtypeStruct((NPAD, 1), jnp.float32)),
    compiler_params=_TC_PARAMS,
)


def _p2_body(s2_ref, u_ref, dinv_ref, wl_ref, p_ref, wlc_ref):
  stot = s2_ref[:NPAD, :] + s2_ref[NPAD:, :] + u_ref[...]
  p_ref[...] = stot * dinv_ref[...]
  wlb = _bf16_trunc(wl_ref[...])
  wlc_ref[...] = jnp.sum(wlb, axis=1, keepdims=True)


_p2 = pl.pallas_call(
    _p2_body,
    out_shape=(jax.ShapeDtypeStruct((NPAD, D), jnp.float32),
               jax.ShapeDtypeStruct((H, 1), jnp.float32)),
    compiler_params=_TC_PARAMS,
)


def _s1_body(p_ref, wcb_ref, bc_ref, sg_ref, sb_ref, dinv_ref, ws_ref,
             hs_ref):
  g1 = jnp.dot(p_ref[...], wcb_ref[...], precision=lax.Precision.HIGHEST,
               preferred_element_type=jnp.float32) + bc_ref[...]
  e1 = jnp.where(g1 > 0, g1, jnp.exp(g1) - 1.0)
  mask = _row_mask()
  em = e1 * mask
  m = jnp.sum(em, axis=0, keepdims=True) * (1.0 / N)
  cm = (e1 - m) * mask
  var = jnp.sum(cm * cm, axis=0, keepdims=True) * (1.0 / N)
  a = sg_ref[...] * lax.rsqrt(var + EPS)
  b = sb_ref[...] - m * a
  hb = _bf16_trunc(e1 * a + b)
  hw = jnp.dot(hb, ws_ref[...], precision=lax.Precision.HIGHEST,
               preferred_element_type=jnp.float32)
  hs_ref[...] = hw * dinv_ref[...] * mask


_s1 = pl.pallas_call(
    _s1_body,
    out_shape=jax.ShapeDtypeStruct((NPAD, H), jnp.float32),
    compiler_params=_TC_PARAMS,
)


def _s2_body(s2_ref, hs_ref, dinv_ref, v_ref, bs_ref, wlc_ref,
             tau_ref, vo_ref, z_ref):
  g2 = (s2_ref[:NPAD, :] + s2_ref[NPAD:, :] + hs_ref[...]) * dinv_ref[...] \
      + bs_ref[...]
  tau = tau_ref[0, 0]
  v = v_ref[...]
  v1 = v + (g2 - v) * tau
  s = (v1 >= V_TH).astype(jnp.float32)
  vo_ref[...] = v1 * (1.0 - s)
  z_ref[...] = jnp.dot(s, wlc_ref[...], precision=lax.Precision.HIGHEST,
                       preferred_element_type=jnp.float32)


_s2 = pl.pallas_call(
    _s2_body,
    out_shape=(jax.ShapeDtypeStruct((NPAD, H), jnp.float32),
               jax.ShapeDtypeStruct((NPAD, 1), jnp.float32)),
    compiler_params=_TC_PARAMS,
)


@jax.jit
def kernel(x, edge_index, Wc, bc, bn_g, bn_b, sbn_g, sbn_b, Ws, bs, Wl,
           plif_w):
  f32 = jnp.float32
  src = edge_index[0].astype(jnp.int32)
  dst = edge_index[1].astype(jnp.int32)
  pad = jnp.full((EPAD - E,), N, dtype=jnp.int32)
  src2d = jnp.concatenate([src, pad]).reshape(ECHUNKS, 128)
  dst2d = jnp.concatenate([dst, pad]).reshape(ECHUNKS, 128)
  xpad = jnp.zeros((NPAD, D), f32).at[:N].set(x)
  ones128 = jnp.ones((128, D), f32)
  zrows = jnp.zeros((RPT, D), f32)

  degp = _deg(dst2d, ones128, zrows)
  u, dinv = _p1(xpad, degp, bn_g.reshape(1, D), bn_b.reshape(1, D))
  su = _prop(u, src2d, dst2d, zrows)
  P, wlc = _p2(su, u, dinv, Wl)

  def emb(t, w):
    return lax.dynamic_update_slice(jnp.zeros((D, H), f32), w, (t * CH, 0))

  wcr = _bf16_trunc(Wc)
  wsr = _bf16_trunc(Ws)
  wcbig = jax.vmap(emb)(jnp.arange(T), wcr)
  tau = jax.nn.sigmoid(plif_w).reshape(1, 1).astype(f32)
  sg = sbn_g.reshape(1, H)
  sb = sbn_b.reshape(1, H)
  bs2 = bs.reshape(1, H)

  def step(v, xs):
    wcb, bct = xs
    hs = _s1(P, wcb, bct, sg, sb, dinv, wsr)
    s2 = _prop(hs, src2d, dst2d, zrows)
    vo, z = _s2(s2, hs, dinv, v, bs2, wlc, tau)
    return vo, z

  v0 = jnp.zeros((NPAD, H), f32)
  _, zs = lax.scan(step, v0, (wcbig, bc.reshape(T, 1, H)))
  z32 = zs[:, :N, 0]
  return jnp.concatenate([z32, z32], axis=0)

# --- scband reference (transcript-rebuilt; emitter-appended) ---
"""Pipeline reference for scband-spike-gcl-31026843747086 (READ-ONLY COPY).

The authoritative reference and input builder live on the scoring server;
editing this copy changes nothing except your own understanding.
"""

import jax, jax.numpy as jnp
import numpy as np

N = 10000
E = 320000
D = 128
H = 128
O = 128
T = 32
CH = D // T
V_TH = 0.005
ALPHA = 1.0
EPS = 1e-5

@jax.custom_vjp
def spike_fn(v):
    return (v >= 0.0).astype(jnp.float32)

def _spike_fwd(v):
    return spike_fn(v), v

def _spike_bwd(v, g):
    s = jax.nn.sigmoid(ALPHA * v)
    return (g * ALPHA * s * (1.0 - s),)

spike_fn.defvjp(_spike_fwd, _spike_bwd)

def setup_inputs(seed: int = 0):
    key = jax.random.key(seed)
    ks = jax.random.split(key, 8)
    x = jax.random.normal(ks[0], (N, D), dtype=jnp.float32)
    edge_index = jax.random.randint(ks[1], (2, E), 0, N)
    Wc = jax.random.normal(ks[2], (T, CH, H), dtype=jnp.float32) * (1.0 / np.sqrt(CH))
    bc = jnp.zeros((T, H), dtype=jnp.float32)
    bn_g = jnp.ones((T, CH), dtype=jnp.float32)
    bn_b = jnp.zeros((T, CH), dtype=jnp.float32)
    sbn_g = jnp.ones((H,), dtype=jnp.float32)
    sbn_b = jnp.zeros((H,), dtype=jnp.float32)
    Ws = jax.random.normal(ks[3], (H, H), dtype=jnp.float32) * (1.0 / np.sqrt(H))
    bs = jnp.zeros((H,), dtype=jnp.float32)
    Wl = jax.random.normal(ks[4], (H, O), dtype=jnp.float32) * (1.0 / np.sqrt(H))
    plif_w = jnp.asarray(1.0, dtype=jnp.float32)
    return dict(x=x, edge_index=edge_index, Wc=Wc, bc=bc, bn_g=bn_g, bn_b=bn_b,
                sbn_g=sbn_g, sbn_b=sbn_b, Ws=Ws, bs=bs, Wl=Wl, plif_w=plif_w)

def _build_norm(edge_index):
    loop = jnp.arange(N, dtype=edge_index.dtype)
    src = jnp.concatenate([edge_index[0], loop])
    dst = jnp.concatenate([edge_index[1], loop])
    deg = jax.ops.segment_sum(jnp.ones(src.shape[0], jnp.float32), dst, num_segments=N)
    dinv = jnp.where(deg > 0, jax.lax.rsqrt(jnp.maximum(deg, 1e-12)), 0.0)
    norm = dinv[src] * dinv[dst]
    return src, dst, norm

def _bn(x, g, b):
    m = jnp.mean(x, axis=0)
    v = jnp.var(x, axis=0)
    return (x - m) * jax.lax.rsqrt(v + EPS) * g + b

def _gcn(x, W, b, src, dst, norm):
    h = x @ W
    msg = h[src] * norm[:, None]
    out = jax.ops.segment_sum(msg, dst, num_segments=N)
    return out + b

def _encode(x, src, dst, norm, Wc, bc, bn_g, bn_b, sbn_g, sbn_b, Ws, bs, plif_w):
    v = jnp.zeros((N, H), jnp.float32)
    tau_inv = jax.nn.sigmoid(plif_w)
    spikes = []
    for i in range(T):
        xi = x[:, i * CH:(i + 1) * CH]
        xi = _bn(xi, bn_g[i], bn_b[i])
        h = _gcn(xi, Wc[i], bc[i], src, dst, norm)
        h = jax.nn.elu(h)
        h = _bn(h, sbn_g, sbn_b)
        h = _gcn(h, Ws, bs, src, dst, norm)
        v = v + (h - v) * tau_inv
        s = spike_fn(v - V_TH)
        v = v * (1.0 - jax.lax.stop_gradient(s))
        spikes.append(s)
    return spikes

def reference(x, edge_index, Wc, bc, bn_g, bn_b, sbn_g, sbn_b, Ws, bs, Wl, plif_w):
    src, dst, norm = _build_norm(edge_index)
    # shuffle=False, dropedge=0.0, dropout=0.0 -> the two augmented views are identical
    s1 = _encode(x, src, dst, norm, Wc, bc, bn_g, bn_b, sbn_g, sbn_b, Ws, bs, plif_w)
    s2 = _encode(x, src, dst, norm, Wc, bc, bn_g, bn_b, sbn_g, sbn_b, Ws, bs, plif_w)
    z1 = [(s @ Wl).sum(axis=1) for s in s1]
    z2 = [(s @ Wl).sum(axis=1) for s in s2]
    return jnp.stack(z1 + z2, axis=0)

if __name__ == "__main__":
    import jax
    _d = setup_inputs()
    print(jax.jit(kernel)(*tuple(_d.values())))

</pallas_src>

<mosaic_0001>
#map = affine_map<(d0, d1) -> (0, 0)>
module attributes {stable_mosaic.version = 14 : i64} {
  func.func @_prop_body(%arg0: i32, %arg1: i32, %arg2: memref<10240x128xf32, #tpu.memory_space<hbm>>, %arg3: memref<2560x128xi32, #tpu.memory_space<hbm>>, %arg4: memref<2560x128xi32, #tpu.memory_space<hbm>>, %arg5: memref<640x128xf32, #tpu.memory_space<hbm>>, %arg6: memref<20480x128xf32, #tpu.memory_space<hbm>>, %arg7: memref<10240x128xf32, #tpu.memory_space<vmem_shared>>, %arg8: memref<8x128xi32, #tpu.memory_space<vmem>>, %arg9: memref<8x128xi32, #tpu.memory_space<vmem>>, %arg10: memref<2x128x128xf32, #tpu.memory_space<vmem>>, %arg11: memref<!tpu.dma_semaphore, #tpu.memory_space<semaphore_mem>>, %arg12: memref<!tpu.dma_semaphore, #tpu.memory_space<semaphore_mem>>) attributes {dimension_semantics = [#tpu.dimension_semantics<core_parallel>, #tpu.dimension_semantics<subcore_parallel>], iteration_bounds = array<i64: 2, 16>, scalar_prefetch = 0 : i64, scratch_operands = 6 : i64, tpu.core_type = #tpu.core_type<sc_vector_subcore>, window_params = [{transform_indices = #map}, {transform_indices = #map}, {transform_indices = #map}, {transform_indices = #map}, {transform_indices = #map}]} {
    %mul3A = arith.constant 16 : i32
    %mul3A_0 = arith.muli %arg0, %mul3A : i32
    %add3A = arith.addi %mul3A_0, %arg1 : i32
    %mul3A_1 = arith.constant 80 : i32
    %mul3A_2 = arith.muli %add3A, %mul3A_1 : i32
    %mul3A_3 = arith.constant 640 : i32
    %mul3A_4 = arith.muli %arg1, %mul3A_3 : i32
    "tpu.region"() ({
      %run_scoped3A = tpu.sem_alloc : memref<!tpu.dma_semaphore, #tpu.memory_space<semaphore_mem>>
      %dma_start3A = arith.constant 0 : i32
      %dma_start3A_17 = tpu.memref_slice %arg7[%mul3A_4, %dma_start3A] : memref<10240x128xf32, #tpu.memory_space<vmem_shared>> -> memref<640x128xf32, #tpu.memory_space<vmem_shared>>
      tpu.enqueue_dma source(%arg5 : memref<640x128xf32, #tpu.memory_space<hbm>>) target(%dma_start3A_17 : memref<640x128xf32, #tpu.memory_space<vmem_shared>>) target_semaphore(%run_scoped3A : memref<!tpu.dma_semaphore, #tpu.memory_space<semaphore_mem>>)
      %dma_wait3A = arith.constant 0 : i32
      %dma_wait3A_18 = tpu.memref_slice %arg7[%mul3A_4, %dma_wait3A] : memref<10240x128xf32, #tpu.memory_space<vmem_shared>> -> memref<640x128xf32, #tpu.memory_space<vmem_shared>>
      tpu.wait_dma2 semaphore(%run_scoped3A : memref<!tpu.dma_semaphore, #tpu.memory_space<semaphore_mem>>) src(%arg5 : memref<640x128xf32, #tpu.memory_space<hbm>>) dst(%dma_wait3A_18 : memref<640x128xf32, #tpu.memory_space<vmem_shared>>)
      tpu.yield
    }) : () -> ()
    %barrier3A = arith.constant 0 : index
    tpu.barrier barrier_id(%barrier3A)
    %scan3A = arith.constant 0 : i32
    %scan3A_5 = arith.constant 10 : i32
    %scan3A_6 = arith.addi %scan3A, %scan3A_5 : i32
    %scan3A_7 = arith.constant 1 : i32
    scf.for %scan3A_17 = %scan3A to %scan3A_6 step %scan3A_7  : i32 {
      %mul3A_18 = arith.constant 1 : i32
      %mul3A_19 = arith.muli %scan3A_17, %mul3A_18 : i32
      %add3A_20 = arith.constant 0 : i32
      %add3A_21 = arith.addi %add3A_20, %mul3A_19 : i32
      %mul3A_22 = arith.constant 8 : i32
      %mul3A_23 = arith.muli %add3A_21, %mul3A_22 : i32
      %add3A_24 = arith.addi %mul3A_2, %mul3A_23 : i32
      "tpu.region"() ({
        %run_scoped3A = tpu.sem_alloc : memref<!tpu.dma_semaphore, #tpu.memory_space<semaphore_mem>>
        %dma_start3A_53 = arith.constant 0 : i32
        %dma_start3A_54 = tpu.memref_slice %arg3[%add3A_24, %dma_start3A_53] : memref<2560x128xi32, #tpu.memory_space<hbm>> -> memref<8x128xi32, #tpu.memory_space<hbm>>
        %dma_start3A_55 = arith.constant 0 : i32
        %dma_start3A_56 = tpu.memref_slice %arg3[%add3A_24, %dma_start3A_55] : memref<2560x128xi32, #tpu.memory_space<hbm>> -> memref<8x128xi32, #tpu.memory_space<hbm>>
        tpu.enqueue_dma source(%dma_start3A_56 : memref<8x128xi32, #tpu.memory_space<hbm>>) target(%arg8 : memref<8x128xi32, #tpu.memory_space<vmem>>) target_semaphore(%run_scoped3A : memref<!tpu.dma_semaphore, #tpu.memory_space<semaphore_mem>>)
        %dma_wait3A = arith.constant 0 : i32
        %dma_wait3A_57 = tpu.memref_slice %arg3[%add3A_24, %dma_wait3A] : memref<2560x128xi32, #tpu.memory_space<hbm>> -> memref<8x128xi32, #tpu.memory_space<hbm>>
        %dma_wait3A_58 = arith.constant 0 : i32
        %dma_wait3A_59 = tpu.memref_slice %arg3[%add3A_24, %dma_wait3A_58] : memref<2560x128xi32, #tpu.memory_space<hbm>> -> memref<8x128xi32, #tpu.memory_space<hbm>>
        tpu.wait_dma2 semaphore(%run_scoped3A : memref<!tpu.dma_semaphore, #tpu.memory_space<semaphore_mem>>) src(%dma_wait3A_59 : memref<8x128xi32, #tpu.memory_space<hbm>>) dst(%arg8 : memref<8x128xi32, #tpu.memory_space<vmem>>)
        tpu.yield
      }) : () -> ()
      "tpu.region"() ({
        %run_scoped3A = tpu.sem_alloc : memref<!tpu.dma_semaphore, #tpu.memory_space<semaphore_mem>>
        %dma_start3A_53 = arith.constant 0 : i32
        %dma_start3A_54 = tpu.memref_slice %arg4[%add3A_24, %dma_start3A_53] : memref<2560x128xi32, #tpu.memory_space<hbm>> -> memref<8x128xi32, #tpu.memory_space<hbm>>
        %dma_start3A_55 = arith.constant 0 : i32
        %dma_start3A_56 = tpu.memref_slice %arg4[%add3A_24, %dma_start3A_55] : memref<2560x128xi32, #tpu.memory_space<hbm>> -> memref<8x128xi32, #tpu.memory_space<hbm>>
        tpu.enqueue_dma source(%dma_start3A_56 : memref<8x128xi32, #tpu.memory_space<hbm>>) target(%arg9 : memref<8x128xi32, #tpu.memory_space<vmem>>) target_semaphore(%run_scoped3A : memref<!tpu.dma_semaphore, #tpu.memory_space<semaphore_mem>>)
        %dma_wait3A = arith.constant 0 : i32
        %dma_wait3A_57 = tpu.memref_slice %arg4[%add3A_24, %dma_wait3A] : memref<2560x128xi32, #tpu.memory_space<hbm>> -> memref<8x128xi32, #tpu.memory_space<hbm>>
        %dma_wait3A_58 = arith.constant 0 : i32
        %dma_wait3A_59 = tpu.memref_slice %arg4[%add3A_24, %dma_wait3A_58] : memref<2560x128xi32, #tpu.memory_space<hbm>> -> memref<8x128xi32, #tpu.memory_space<hbm>>
        tpu.wait_dma2 semaphore(%run_scoped3A : memref<!tpu.dma_semaphore, #tpu.memory_space<semaphore_mem>>) src(%dma_wait3A_59 : memref<8x128xi32, #tpu.memory_space<hbm>>) dst(%arg9 : memref<8x128xi32, #tpu.memory_space<vmem>>)
        tpu.yield
      }) : () -> ()
      %dma_start3A = arith.constant 0 : i32
      %dma_start3A_25 = arith.constant 0 : i32
      %dma_start3A_26 = arith.constant 0 : i32
      %dma_start3A_27 = arith.constant 0 : i32
      %dma_start3A_28 = tpu.memref_slice %arg10[%dma_start3A_25, %dma_start3A_26, %dma_start3A_27] : memref<2x128x128xf32, #tpu.memory_space<vmem>> -> memref<1x128x128xf32, #tpu.memory_space<vmem>>
      %dma_start3A_29 = tpu.memref_squeeze %dma_start3A_28 : memref<1x128x128xf32, #tpu.memory_space<vmem>> -> memref<128x128xf32, #tpu.memory_space<vmem>>
      %dma_start3A_30 = arith.constant 0 : i32
      %dma_start3A_31 = tpu.memref_slice %arg8[%dma_start3A, %dma_start3A_30] : memref<8x128xi32, #tpu.memory_space<vmem>> -> memref<1x128xi32, #tpu.memory_space<vmem>>
      %dma_start3A_32 = tpu.memref_squeeze %dma_start3A_31 : memref<1x128xi32, #tpu.memory_space<vmem>> -> memref<128xi32, #tpu.memory_space<vmem>>
      %dma_start3A_33 = arith.constant 0 : i32
      %dma_start3A_34 = arith.constant 0 : i32
      %dma_start3A_35 = tpu.memref_slice %arg2[%dma_start3A_33, %dma_start3A_34] : memref<10240x128xf32, #tpu.memory_space<hbm>> -> memref<10240x128xf32, #tpu.memory_space<hbm>>
      tpu.enqueue_indirect_dma source(%dma_start3A_35 : memref<10240x128xf32, #tpu.memory_space<hbm>>) target(%dma_start3A_29 : memref<128x128xf32, #tpu.memory_space<vmem>>) offsets(%dma_start3A_32 : memref<128xi32, #tpu.memory_space<vmem>>) semaphore(%arg11 : memref<!tpu.dma_semaphore, #tpu.memory_space<semaphore_mem>>)
      %dma_start3A_36 = arith.constant 1 : i32
      %dma_start3A_37 = arith.constant 1 : i32
      %dma_start3A_38 = arith.constant 0 : i32
      %dma_start3A_39 = arith.constant 0 : i32
      %dma_start3A_40 = tpu.memref_slice %arg10[%dma_start3A_37, %dma_start3A_38, %dma_start3A_39] : memref<2x128x128xf32, #tpu.memory_space<vmem>> -> memref<1x128x128xf32, #tpu.memory_space<vmem>>
      %dma_start3A_41 = tpu.memref_squeeze %dma_start3A_40 : memref<1x128x128xf32, #tpu.memory_space<vmem>> -> memref<128x128xf32, #tpu.memory_space<vmem>>
      %dma_start3A_42 = arith.constant 0 : i32
      %dma_start3A_43 = tpu.memref_slice %arg8[%dma_start3A_36, %dma_start3A_42] : memref<8x128xi32, #tpu.memory_space<vmem>> -> memref<1x128xi32, #tpu.memory_space<vmem>>
      %dma_start3A_44 = tpu.memref_squeeze %dma_start3A_43 : memref<1x128xi32, #tpu.memory_space<vmem>> -> memref<128xi32, #tpu.memory_space<vmem>>
      %dma_start3A_45 = arith.constant 0 : i32
      %dma_start3A_46 = arith.constant 0 : i32
      %dma_start3A_47 = tpu.memref_slice %arg2[%dma_start3A_45, %dma_start3A_46] : memref<10240x128xf32, #tpu.memory_space<hbm>> -> memref<10240x128xf32, #tpu.memory_space<hbm>>
      tpu.enqueue_indirect_dma source(%dma_start3A_47 : memref<10240x128xf32, #tpu.memory_space<hbm>>) target(%dma_start3A_41 : memref<128x128xf32, #tpu.memory_space<vmem>>) offsets(%dma_start3A_44 : memref<128xi32, #tpu.memory_space<vmem>>) semaphore(%arg12 : memref<!tpu.dma_semaphore, #tpu.memory_space<semaphore_mem>>)
      %scan3A_48 = arith.constant 0 : i32
      %scan3A_49 = arith.constant 4 : i32
      %scan3A_50 = arith.addi %scan3A_48, %scan3A_49 : i32
      %scan3A_51 = arith.constant 1 : i32
      scf.for %scan3A_53 = %scan3A_48 to %scan3A_50 step %scan3A_51  : i32 {
        %mul3A_54 = arith.constant 2 : i32
        %mul3A_55 = arith.muli %scan3A_53, %mul3A_54 : i32
        %add3A_56 = arith.constant 0 : i32
        %add3A_57 = arith.addi %add3A_56, %mul3A_55 : i32
        %add3A_58 = arith.constant 0 : i32
        %add3A_59 = arith.addi %add3A_57, %add3A_58 : i32
        %dma_wait3A = arith.constant 0 : i32
        %dma_wait3A_60 = arith.constant 0 : i32
        %dma_wait3A_61 = arith.constant 0 : i32
        %dma_wait3A_62 = tpu.memref_slice %arg10[%dma_wait3A, %dma_wait3A_60, %dma_wait3A_61] : memref<2x128x128xf32, #tpu.memory_space<vmem>> -> memref<1x128x128xf32, #tpu.memory_space<vmem>>
        %dma_wait3A_63 = tpu.memref_squeeze %dma_wait3A_62 : memref<1x128x128xf32, #tpu.memory_space<vmem>> -> memref<128x128xf32, #tpu.memory_space<vmem>>
        %dma_wait3A_64 = arith.constant 0 : i32
        %dma_wait3A_65 = tpu.memref_slice %arg8[%add3A_59, %dma_wait3A_64] : memref<8x128xi32, #tpu.memory_space<vmem>> -> memref<1x128xi32, #tpu.memory_space<vmem>>
        %dma_wait3A_66 = tpu.memref_squeeze %dma_wait3A_65 : memref<1x128xi32, #tpu.memory_space<vmem>> -> memref<128xi32, #tpu.memory_space<vmem>>
        %dma_wait3A_67 = arith.constant 0 : i32
        %dma_wait3A_68 = arith.constant 0 : i32
        %dma_wait3A_69 = tpu.memref_slice %arg2[%dma_wait3A_67, %dma_wait3A_68] : memref<10240x128xf32, #tpu.memory_space<hbm>> -> memref<10240x128xf32, #tpu.memory_space<hbm>>
        tpu.wait_indirect_dma semaphore(%arg11 : memref<!tpu.dma_semaphore, #tpu.memory_space<semaphore_mem>>) src(%dma_wait3A_69 : memref<10240x128xf32, #tpu.memory_space<hbm>>) dst(%dma_wait3A_63 : memref<128x128xf32, #tpu.memory_space<vmem>>)
        %run_scoped3A = arith.constant 0 : i32
        "tpu.region"() ({
          %run_scoped3A_95 = tpu.sem_alloc : memref<!tpu.dma_semaphore, #tpu.memory_space<semaphore_mem>>
          %dma_start3A_96 = arith.constant 0 : i32
          %dma_start3A_97 = arith.constant 0 : i32
          %dma_start3A_98 = tpu.memref_slice %arg10[%run_scoped3A, %dma_start3A_96, %dma_start3A_97] : memref<2x128x128xf32, #tpu.memory_space<vmem>> -> memref<1x128x128xf32, #tpu.memory_space<vmem>>
          %dma_start3A_99 = tpu.memref_squeeze %dma_start3A_98 : memref<1x128x128xf32, #tpu.memory_space<vmem>> -> memref<128x128xf32, #tpu.memory_space<vmem>>
          %dma_start3A_100 = arith.constant 0 : i32
          %dma_start3A_101 = tpu.memref_slice %arg9[%add3A_59, %dma_start3A_100] : memref<8x128xi32, #tpu.memory_space<vmem>> -> memref<1x128xi32, #tpu.memory_space<vmem>>
          %dma_start3A_102 = tpu.memref_squeeze %dma_start3A_101 : memref<1x128xi32, #tpu.memory_space<vmem>> -> memref<128xi32, #tpu.memory_space<vmem>>
          %dma_start3A_103 = arith.constant 0 : i32
          %dma_start3A_104 = arith.constant 0 : i32
          %dma_start3A_105 = tpu.memref_slice %arg7[%dma_start3A_103, %dma_start3A_104] : memref<10240x128xf32, #tpu.memory_space<vmem_shared>> -> memref<10240x128xf32, #tpu.memory_space<vmem_shared>>
          tpu.enqueue_indirect_dma source(%dma_start3A_99 : memref<128x128xf32, #tpu.memory_space<vmem>>) target(%dma_start3A_105 : memref<10240x128xf32, #tpu.memory_space<vmem_shared>>) offsets(%dma_start3A_102 : memref<128xi32, #tpu.memory_space<vmem>>) semaphore(%run_scoped3A_95 : memref<!tpu.dma_semaphore, #tpu.memory_space<semaphore_mem>>) {add = true}
          %dma_wait3A_106 = arith.constant 0 : i32
          %dma_wait3A_107 = arith.constant 0 : i32
          %dma_wait3A_108 = tpu.memref_slice %arg10[%run_scoped3A, %dma_wait3A_106, %dma_wait3A_107] : memref<2x128x128xf32, #tpu.memory_space<vmem>> -> memref<1x128x128xf32, #tpu.memory_space<vmem>>
          %dma_wait3A_109 = tpu.memref_squeeze %dma_wait3A_108 : memref<1x128x128xf32, #tpu.memory_space<vmem>> -> memref<128x128xf32, #tpu.memory_space<vmem>>
          %dma_wait3A_110 = arith.constant 0 : i32
          %dma_wait3A_111 = tpu.memref_slice %arg9[%add3A_59, %dma_wait3A_110] : memref<8x128xi32, #tpu.memory_space<vmem>> -> memref<1x128xi32, #tpu.memory_space<vmem>>
          %dma_wait3A_112 = tpu.memref_squeeze %dma_wait3A_111 : memref<1x128xi32, #tpu.memory_space<vmem>> -> memref<128xi32, #tpu.memory_space<vmem>>
          %dma_wait3A_113 = arith.constant 0 : i32
          %dma_wait3A_114 = arith.constant 0 : i32
          %dma_wait3A_115 = tpu.memref_slice %arg7[%dma_wait3A_113, %dma_wait3A_114] : memref<10240x128xf32, #tpu.memory_space<vmem_shared>> -> memref<10240x128xf32, #tpu.memory_space<vmem_shared>>
          tpu.wait_indirect_dma semaphore(%run_scoped3A_95 : memref<!tpu.dma_semaphore, #tpu.memory_space<semaphore_mem>>) src(%dma_wait3A_109 : memref<128x128xf32, #tpu.memory_space<vmem>>) dst(%dma_wait3A_115 : memref<10240x128xf32, #tpu.memory_space<vmem_shared>>)
          tpu.yield
        }) : () -> ()
        %add3A_70 = arith.constant 2 : i32
        %add3A_71 = arith.addi %add3A_59, %add3A_70 : i32
        %lt3A = arith.constant 8 : i32
        %lt3A_72 = arith.cmpi slt, %add3A_71, %lt3A : i32
        %convert_element_type3A = arith.extui %lt3A_72 : i1 to i32
        %cond3A = arith.constant 0 : i32
        %cond3A_73 = arith.cmpi ne, %convert_element_type3A, %cond3A : i32
        scf.if %cond3A_73 {
          %add3A_95 = arith.constant 2 : i32
          %add3A_96 = arith.addi %add3A_59, %add3A_95 : i32
          %dma_start3A_97 = arith.constant 0 : i32
          %dma_start3A_98 = arith.constant 0 : i32
          %dma_start3A_99 = arith.constant 0 : i32
          %dma_start3A_100 = tpu.memref_slice %arg10[%dma_start3A_97, %dma_start3A_98, %dma_start3A_99] : memref<2x128x128xf32, #tpu.memory_space<vmem>> -> memref<1x128x128xf32, #tpu.memory_space<vmem>>
          %dma_start3A_101 = tpu.memref_squeeze %dma_start3A_100 : memref<1x128x128xf32, #tpu.memory_space<vmem>> -> memref<128x128xf32, #tpu.memory_space<vmem>>
          %dma_start3A_102 = arith.constant 0 : i32
          %dma_start3A_103 = tpu.memref_slice %arg8[%add3A_96, %dma_start3A_102] : memref<8x128xi32, #tpu.memory_space<vmem>> -> memref<1x128xi32, #tpu.memory_space<vmem>>
          %dma_start3A_104 = tpu.memref_squeeze %dma_start3A_103 : memref<1x128xi32, #tpu.memory_space<vmem>> -> memref<128xi32, #tpu.memory_space<vmem>>
          %dma_start3A_105 = arith.constant 0 : i32
          %dma_start3A_106 = arith.constant 0 : i32
          %dma_start3A_107 = tpu.memref_slice %arg2[%dma_start3A_105, %dma_start3A_106] : memref<10240x128xf32, #tpu.memory_space<hbm>> -> memref<10240x128xf32, #tpu.memory_space<hbm>>
          tpu.enqueue_indirect_dma source(%dma_start3A_107 : memref<10240x128xf32, #tpu.memory_space<hbm>>) target(%dma_start3A_101 : memref<128x128xf32, #tpu.memory_space<vmem>>) offsets(%dma_start3A_104 : memref<128xi32, #tpu.memory_space<vmem>>) semaphore(%arg11 : memref<!tpu.dma_semaphore, #tpu.memory_space<semaphore_mem>>)
        } else {
        }
        %add3A_74 = arith.constant 1 : i32
        %add3A_75 = arith.addi %add3A_57, %add3A_74 : i32
        %dma_wait3A_76 = arith.constant 1 : i32
        %dma_wait3A_77 = arith.constant 0 : i32
        %dma_wait3A_78 = arith.constant 0 : i32
        %dma_wait3A_79 = tpu.memref_slice %arg10[%dma_wait3A_76, %dma_wait3A_77, %dma_wait3A_78] : memref<2x128x128xf32, #tpu.memory_space<vmem>> -> memref<1x128x128xf32, #tpu.memory_space<vmem>>
        %dma_wait3A_80 = tpu.memref_squeeze %dma_wait3A_79 : memref<1x128x128xf32, #tpu.memory_space<vmem>> -> memref<128x128xf32, #tpu.memory_space<vmem>>
        %dma_wait3A_81 = arith.constant 0 : i32
        %dma_wait3A_82 = tpu.memref_slice %arg8[%add3A_75, %dma_wait3A_81] : memref<8x128xi32, #tpu.memory_space<vmem>> -> memref<1x128xi32, #tpu.memory_space<vmem>>
        %dma_wait3A_83 = tpu.memref_squeeze %dma_wait3A_82 : memref<1x128xi32, #tpu.memory_space<vmem>> -> memref<128xi32, #tpu.memory_space<vmem>>
        %dma_wait3A_84 = arith.constant 0 : i32
        %dma_wait3A_85 = arith.constant 0 : i32
        %dma_wait3A_86 = tpu.memref_slice %arg2[%dma_wait3A_84, %dma_wait3A_85] : memref<10240x128xf32, #tpu.memory_space<hbm>> -> memref<10240x128xf32, #tpu.memory_space<hbm>>
        tpu.wait_indirect_dma semaphore(%arg12 : memref<!tpu.dma_semaphore, #tpu.memory_space<semaphore_mem>>) src(%dma_wait3A_86 : memref<10240x128xf32, #tpu.memory_space<hbm>>) dst(%dma_wait3A_80 : memref<128x128xf32, #tpu.memory_space<vmem>>)
        %run_scoped3A_87 = arith.constant 1 : i32
        "tpu.region"() ({
          %run_scoped3A_95 = tpu.sem_alloc : memref<!tpu.dma_semaphore, #tpu.memory_space<semaphore_mem>>
          %dma_start3A_96 = arith.constant 0 : i32
          %dma_start3A_97 = arith.constant 0 : i32
          %dma_start3A_98 = tpu.memref_slice %arg10[%run_scoped3A_87, %dma_start3A_96, %dma_start3A_97] : memref<2x128x128xf32, #tpu.memory_space<vmem>> -> memref<1x128x128xf32, #tpu.memory_space<vmem>>
          %dma_start3A_99 = tpu.memref_squeeze %dma_start3A_98 : memref<1x128x128xf32, #tpu.memory_space<vmem>> -> memref<128x128xf32, #tpu.memory_space<vmem>>
          %dma_start3A_100 = arith.constant 0 : i32
          %dma_start3A_101 = tpu.memref_slice %arg9[%add3A_75, %dma_start3A_100] : memref<8x128xi32, #tpu.memory_space<vmem>> -> memref<1x128xi32, #tpu.memory_space<vmem>>
          %dma_start3A_102 = tpu.memref_squeeze %dma_start3A_101 : memref<1x128xi32, #tpu.memory_space<vmem>> -> memref<128xi32, #tpu.memory_space<vmem>>
          %dma_start3A_103 = arith.constant 0 : i32
          %dma_start3A_104 = arith.constant 0 : i32
          %dma_start3A_105 = tpu.memref_slice %arg7[%dma_start3A_103, %dma_start3A_104] : memref<10240x128xf32, #tpu.memory_space<vmem_shared>> -> memref<10240x128xf32, #tpu.memory_space<vmem_shared>>
          tpu.enqueue_indirect_dma source(%dma_start3A_99 : memref<128x128xf32, #tpu.memory_space<vmem>>) target(%dma_start3A_105 : memref<10240x128xf32, #tpu.memory_space<vmem_shared>>) offsets(%dma_start3A_102 : memref<128xi32, #tpu.memory_space<vmem>>) semaphore(%run_scoped3A_95 : memref<!tpu.dma_semaphore, #tpu.memory_space<semaphore_mem>>) {add = true}
          %dma_wait3A_106 = arith.constant 0 : i32
          %dma_wait3A_107 = arith.constant 0 : i32
          %dma_wait3A_108 = tpu.memref_slice %arg10[%run_scoped3A_87, %dma_wait3A_106, %dma_wait3A_107] : memref<2x128x128xf32, #tpu.memory_space<vmem>> -> memref<1x128x128xf32, #tpu.memory_space<vmem>>
          %dma_wait3A_109 = tpu.memref_squeeze %dma_wait3A_108 : memref<1x128x128xf32, #tpu.memory_space<vmem>> -> memref<128x128xf32, #tpu.memory_space<vmem>>
          %dma_wait3A_110 = arith.constant 0 : i32
          %dma_wait3A_111 = tpu.memref_slice %arg9[%add3A_75, %dma_wait3A_110] : memref<8x128xi32, #tpu.memory_space<vmem>> -> memref<1x128xi32, #tpu.memory_space<vmem>>
          %dma_wait3A_112 = tpu.memref_squeeze %dma_wait3A_111 : memref<1x128xi32, #tpu.memory_space<vmem>> -> memref<128xi32, #tpu.memory_space<vmem>>
          %dma_wait3A_113 = arith.constant 0 : i32
          %dma_wait3A_114 = arith.constant 0 : i32
          %dma_wait3A_115 = tpu.memref_slice %arg7[%dma_wait3A_113, %dma_wait3A_114] : memref<10240x128xf32, #tpu.memory_space<vmem_shared>> -> memref<10240x128xf32, #tpu.memory_space<vmem_shared>>
          tpu.wait_indirect_dma semaphore(%run_scoped3A_95 : memref<!tpu.dma_semaphore, #tpu.memory_space<semaphore_mem>>) src(%dma_wait3A_109 : memref<128x128xf32, #tpu.memory_space<vmem>>) dst(%dma_wait3A_115 : memref<10240x128xf32, #tpu.memory_space<vmem_shared>>)
          tpu.yield
        }) : () -> ()
        %add3A_88 = arith.constant 2 : i32
        %add3A_89 = arith.addi %add3A_75, %add3A_88 : i32
        %lt3A_90 = arith.constant 8 : i32
        %lt3A_91 = arith.cmpi slt, %add3A_89, %lt3A_90 : i32
        %convert_element_type3A_92 = arith.extui %lt3A_91 : i1 to i32
        %cond3A_93 = arith.constant 0 : i32
        %cond3A_94 = arith.cmpi ne, %convert_element_type3A_92, %cond3A_93 : i32
        scf.if %cond3A_94 {
          %add3A_95 = arith.constant 2 : i32
          %add3A_96 = arith.addi %add3A_75, %add3A_95 : i32
          %dma_start3A_97 = arith.constant 1 : i32
          %dma_start3A_98 = arith.constant 0 : i32
          %dma_start3A_99 = arith.constant 0 : i32
          %dma_start3A_100 = tpu.memref_slice %arg10[%dma_start3A_97, %dma_start3A_98, %dma_start3A_99] : memref<2x128x128xf32, #tpu.memory_space<vmem>> -> memref<1x128x128xf32, #tpu.memory_space<vmem>>
          %dma_start3A_101 = tpu.memref_squeeze %dma_start3A_100 : memref<1x128x128xf32, #tpu.memory_space<vmem>> -> memref<128x128xf32, #tpu.memory_space<vmem>>
          %dma_start3A_102 = arith.constant 0 : i32
          %dma_start3A_103 = tpu.memref_slice %arg8[%add3A_96, %dma_start3A_102] : memref<8x128xi32, #tpu.memory_space<vmem>> -> memref<1x128xi32, #tpu.memory_space<vmem>>
          %dma_start3A_104 = tpu.memref_squeeze %dma_start3A_103 : memref<1x128xi32, #tpu.memory_space<vmem>> -> memref<128xi32, #tpu.memory_space<vmem>>
          %dma_start3A_105 = arith.constant 0 : i32
          %dma_start3A_106 = arith.constant 0 : i32
          %dma_start3A_107 = tpu.memref_slice %arg2[%dma_start3A_105, %dma_start3A_106] : memref<10240x128xf32, #tpu.memory_space<hbm>> -> memref<10240x128xf32, #tpu.memory_space<hbm>>
          tpu.enqueue_indirect_dma source(%dma_start3A_107 : memref<10240x128xf32, #tpu.memory_space<hbm>>) target(%dma_start3A_101 : memref<128x128xf32, #tpu.memory_space<vmem>>) offsets(%dma_start3A_104 : memref<128xi32, #tpu.memory_space<vmem>>) semaphore(%arg12 : memref<!tpu.dma_semaphore, #tpu.memory_space<semaphore_mem>>)
        } else {
        }
      }
      %scan3A_52 = arith.constant 4 : i32
    }
    %scan3A_8 = arith.constant 10 : i32
    %barrier3A_9 = arith.constant 0 : index
    tpu.barrier barrier_id(%barrier3A_9)
    %mul3A_10 = arith.constant 640 : i32
    %mul3A_11 = arith.muli %arg1, %mul3A_10 : i32
    %mul3A_12 = arith.constant 10240 : i32
    %mul3A_13 = arith.muli %arg0, %mul3A_12 : i32
    %mul3A_14 = arith.constant 640 : i32
    %mul3A_15 = arith.muli %arg1, %mul3A_14 : i32
    %add3A_16 = arith.addi %mul3A_13, %mul3A_15 : i32
    "tpu.region"() ({
      %run_scoped3A = tpu.sem_alloc : memref<!tpu.dma_semaphore, #tpu.memory_space<semaphore_mem>>
      %dma_start3A = arith.constant 0 : i32
      %dma_start3A_17 = tpu.memref_slice %arg6[%add3A_16, %dma_start3A] : memref<20480x128xf32, #tpu.memory_space<hbm>> -> memref<640x128xf32, #tpu.memory_space<hbm>>
      %dma_start3A_18 = arith.constant 0 : i32
      %dma_start3A_19 = tpu.memref_slice %arg7[%mul3A_11, %dma_start3A_18] : memref<10240x128xf32, #tpu.memory_space<vmem_shared>> -> memref<640x128xf32, #tpu.memory_space<vmem_shared>>
      tpu.enqueue_dma source(%dma_start3A_19 : memref<640x128xf32, #tpu.memory_space<vmem_shared>>) target(%dma_start3A_17 : memref<640x128xf32, #tpu.memory_space<hbm>>) target_semaphore(%run_scoped3A : memref<!tpu.dma_semaphore, #tpu.memory_space<semaphore_mem>>)
      %dma_wait3A = arith.constant 0 : i32
      %dma_wait3A_20 = tpu.memref_slice %arg6[%add3A_16, %dma_wait3A] : memref<20480x128xf32, #tpu.memory_space<hbm>> -> memref<640x128xf32, #tpu.memory_space<hbm>>
      %dma_wait3A_21 = arith.constant 0 : i32
      %dma_wait3A_22 = tpu.memref_slice %arg7[%mul3A_11, %dma_wait3A_21] : memref<10240x128xf32, #tpu.memory_space<vmem_shared>> -> memref<640x128xf32, #tpu.memory_space<vmem_shared>>
      tpu.wait_dma2 semaphore(%run_scoped3A : memref<!tpu.dma_semaphore, #tpu.memory_space<semaphore_mem>>) src(%dma_wait3A_22 : memref<640x128xf32, #tpu.memory_space<vmem_shared>>) dst(%dma_wait3A_20 : memref<640x128xf32, #tpu.memory_space<hbm>>)
      tpu.yield
    }) : () -> ()
    return
  }
}

#map = affine_map<(d0, d1) -> (0, 0)>
module attributes {stable_mosaic.version = 14 : i64} {
  func.func @_deg_body(%arg0: i32, %arg1: i32, %arg2: memref<2560x128xi32, #tpu.memory_space<hbm>>, %arg3: memref<128x128xf32, #tpu.memory_space<hbm>>, %arg4: memref<640x128xf32, #tpu.memory_space<hbm>>, %arg5: memref<20480x128xf32, #tpu.memory_space<hbm>>, %arg6: memref<10240x128xf32, #tpu.memory_space<vmem_shared>>, %arg7: memref<80x128xi32, #tpu.memory_space<vmem>>, %arg8: memref<128x128xf32, #tpu.memory_space<vmem>>) attributes {dimension_semantics = [#tpu.dimension_semantics<core_parallel>, #tpu.dimension_semantics<subcore_parallel>], iteration_bounds = array<i64: 2, 16>, scalar_prefetch = 0 : i64, scratch_operands = 3 : i64, tpu.core_type = #tpu.core_type<sc_vector_subcore>, window_params = [{transform_indices = #map}, {transform_indices = #map}, {transform_indices = #map}, {transform_indices = #map}]} {
    %mul3A = arith.constant 16 : i32
    %mul3A_0 = arith.muli %arg0, %mul3A : i32
    %add3A = arith.addi %mul3A_0, %arg1 : i32
    %mul3A_1 = arith.constant 640 : i32
    %mul3A_2 = arith.muli %arg1, %mul3A_1 : i32
    "tpu.region"() ({
      %run_scoped3A = tpu.sem_alloc : memref<!tpu.dma_semaphore, #tpu.memory_space<semaphore_mem>>
      %dma_start3A = arith.constant 0 : i32
      %dma_start3A_17 = tpu.memref_slice %arg6[%mul3A_2, %dma_start3A] : memref<10240x128xf32, #tpu.memory_space<vmem_shared>> -> memref<640x128xf32, #tpu.memory_space<vmem_shared>>
      tpu.enqueue_dma source(%arg4 : memref<640x128xf32, #tpu.memory_space<hbm>>) target(%dma_start3A_17 : memref<640x128xf32, #tpu.memory_space<vmem_shared>>) target_semaphore(%run_scoped3A : memref<!tpu.dma_semaphore, #tpu.memory_space<semaphore_mem>>)
      %dma_wait3A = arith.constant 0 : i32
      %dma_wait3A_18 = tpu.memref_slice %arg6[%mul3A_2, %dma_wait3A] : memref<10240x128xf32, #tpu.memory_space<vmem_shared>> -> memref<640x128xf32, #tpu.memory_space<vmem_shared>>
      tpu.wait_dma2 semaphore(%run_scoped3A : memref<!tpu.dma_semaphore, #tpu.memory_space<semaphore_mem>>) src(%arg4 : memref<640x128xf32, #tpu.memory_space<hbm>>) dst(%dma_wait3A_18 : memref<640x128xf32, #tpu.memory_space<vmem_shared>>)
      tpu.yield
    }) : () -> ()
    "tpu.region"() ({
      %run_scoped3A = tpu.sem_alloc : memref<!tpu.dma_semaphore, #tpu.memory_space<semaphore_mem>>
      tpu.enqueue_dma source(%arg3 : memref<128x128xf32, #tpu.memory_space<hbm>>) target(%arg8 : memref<128x128xf32, #tpu.memory_space<vmem>>) target_semaphore(%run_scoped3A : memref<!tpu.dma_semaphore, #tpu.memory_space<semaphore_mem>>)
      tpu.wait_dma2 semaphore(%run_scoped3A : memref<!tpu.dma_semaphore, #tpu.memory_space<semaphore_mem>>) src(%arg3 : memref<128x128xf32, #tpu.memory_space<hbm>>) dst(%arg8 : memref<128x128xf32, #tpu.memory_space<vmem>>)
      tpu.yield
    }) : () -> ()
    %mul3A_3 = arith.constant 80 : i32
    %mul3A_4 = arith.muli %add3A, %mul3A_3 : i32
    "tpu.region"() ({
      %run_scoped3A = tpu.sem_alloc : memref<!tpu.dma_semaphore, #tpu.memory_space<semaphore_mem>>
      %dma_start3A = arith.constant 0 : i32
      %dma_start3A_17 = tpu.memref_slice %arg2[%mul3A_4, %dma_start3A] : memref<2560x128xi32, #tpu.memory_space<hbm>> -> memref<80x128xi32, #tpu.memory_space<hbm>>
      %dma_start3A_18 = arith.constant 0 : i32
      %dma_start3A_19 = tpu.memref_slice %arg2[%mul3A_4, %dma_start3A_18] : memref<2560x128xi32, #tpu.memory_space<hbm>> -> memref<80x128xi32, #tpu.memory_space<hbm>>
      tpu.enqueue_dma source(%dma_start3A_19 : memref<80x128xi32, #tpu.memory_space<hbm>>) target(%arg7 : memref<80x128xi32, #tpu.memory_space<vmem>>) target_semaphore(%run_scoped3A : memref<!tpu.dma_semaphore, #tpu.memory_space<semaphore_mem>>)
      %dma_wait3A = arith.constant 0 : i32
      %dma_wait3A_20 = tpu.memref_slice %arg2[%mul3A_4, %dma_wait3A] : memref<2560x128xi32, #tpu.memory_space<hbm>> -> memref<80x128xi32, #tpu.memory_space<hbm>>
      %dma_wait3A_21 = arith.constant 0 : i32
      %dma_wait3A_22 = tpu.memref_slice %arg2[%mul3A_4, %dma_wait3A_21] : memref<2560x128xi32, #tpu.memory_space<hbm>> -> memref<80x128xi32, #tpu.memory_space<hbm>>
      tpu.wait_dma2 semaphore(%run_scoped3A : memref<!tpu.dma_semaphore, #tpu.memory_space<semaphore_mem>>) src(%dma_wait3A_22 : memref<80x128xi32, #tpu.memory_space<hbm>>) dst(%arg7 : memref<80x128xi32, #tpu.memory_space<vmem>>)
      tpu.yield
    }) : () -> ()
    %barrier3A = arith.constant 0 : index
    tpu.barrier barrier_id(%barrier3A)
    %scan3A = arith.constant 0 : i32
    %scan3A_5 = arith.constant 80 : i32
    %scan3A_6 = arith.addi %scan3A, %scan3A_5 : i32
    %scan3A_7 = arith.constant 1 : i32
    scf.for %scan3A_17 = %scan3A to %scan3A_6 step %scan3A_7  : i32 {
      %mul3A_18 = arith.constant 1 : i32
      %mul3A_19 = arith.muli %scan3A_17, %mul3A_18 : i32
      %add3A_20 = arith.constant 0 : i32
      %add3A_21 = arith.addi %add3A_20, %mul3A_19 : i32
      "tpu.region"() ({
        %run_scoped3A = tpu.sem_alloc : memref<!tpu.dma_semaphore, #tpu.memory_space<semaphore_mem>>
        %dma_start3A = arith.constant 0 : i32
        %dma_start3A_22 = tpu.memref_slice %arg7[%add3A_21, %dma_start3A] : memref<80x128xi32, #tpu.memory_space<vmem>> -> memref<1x128xi32, #tpu.memory_space<vmem>>
        %dma_start3A_23 = tpu.memref_squeeze %dma_start3A_22 : memref<1x128xi32, #tpu.memory_space<vmem>> -> memref<128xi32, #tpu.memory_space<vmem>>
        %dma_start3A_24 = arith.constant 0 : i32
        %dma_start3A_25 = arith.constant 0 : i32
        %dma_start3A_26 = tpu.memref_slice %arg6[%dma_start3A_24, %dma_start3A_25] : memref<10240x128xf32, #tpu.memory_space<vmem_shared>> -> memref<10240x128xf32, #tpu.memory_space<vmem_shared>>
        tpu.enqueue_indirect_dma source(%arg8 : memref<128x128xf32, #tpu.memory_space<vmem>>) target(%dma_start3A_26 : memref<10240x128xf32, #tpu.memory_space<vmem_shared>>) offsets(%dma_start3A_23 : memref<128xi32, #tpu.memory_space<vmem>>) semaphore(%run_scoped3A : memref<!tpu.dma_semaphore, #tpu.memory_space<semaphore_mem>>) {add = true}
        %dma_wait3A = arith.constant 0 : i32
        %dma_wait3A_27 = tpu.memref_slice %arg7[%add3A_21, %dma_wait3A] : memref<80x128xi32, #tpu.memory_space<vmem>> -> memref<1x128xi32, #tpu.memory_space<vmem>>
        %dma_wait3A_28 = tpu.memref_squeeze %dma_wait3A_27 : memref<1x128xi32, #tpu.memory_space<vmem>> -> memref<128xi32, #tpu.memory_space<vmem>>
        %dma_wait3A_29 = arith.constant 0 : i32
        %dma_wait3A_30 = arith.constant 0 : i32
        %dma_wait3A_31 = tpu.memref_slice %arg6[%dma_wait3A_29, %dma_wait3A_30] : memref<10240x128xf32, #tpu.memory_space<vmem_shared>> -> memref<10240x128xf32, #tpu.memory_space<vmem_shared>>
        tpu.wait_indirect_dma semaphore(%run_scoped3A : memref<!tpu.dma_semaphore, #tpu.memory_space<semaphore_mem>>) src(%arg8 : memref<128x128xf32, #tpu.memory_space<vmem>>) dst(%dma_wait3A_31 : memref<10240x128xf32, #tpu.memory_space<vmem_shared>>)
        tpu.yield
      }) : () -> ()
    }
    %scan3A_8 = arith.constant 80 : i32
    %barrier3A_9 = arith.constant 0 : index
    tpu.barrier barrier_id(%barrier3A_9)
    %mul3A_10 = arith.constant 640 : i32
    %mul3A_11 = arith.muli %arg1, %mul3A_10 : i32
    %mul3A_12 = arith.constant 10240 : i32
    %mul3A_13 = arith.muli %arg0, %mul3A_12 : i32
    %mul3A_14 = arith.constant 640 : i32
    %mul3A_15 = arith.muli %arg1, %mul3A_14 : i32
    %add3A_16 = arith.addi %mul3A_13, %mul3A_15 : i32
    "tpu.region"() ({
      %run_scoped3A = tpu.sem_alloc : memref<!tpu.dma_semaphore, #tpu.memory_space<semaphore_mem>>
      %dma_start3A = arith.constant 0 : i32
      %dma_start3A_17 = tpu.memref_slice %arg5[%add3A_16, %dma_start3A] : memref<20480x128xf32, #tpu.memory_space<hbm>> -> memref<640x128xf32, #tpu.memory_space<hbm>>
      %dma_start3A_18 = arith.constant 0 : i32
      %dma_start3A_19 = tpu.memref_slice %arg6[%mul3A_11, %dma_start3A_18] : memref<10240x128xf32, #tpu.memory_space<vmem_shared>> -> memref<640x128xf32, #tpu.memory_space<vmem_shared>>
      tpu.enqueue_dma source(%dma_start3A_19 : memref<640x128xf32, #tpu.memory_space<vmem_shared>>) target(%dma_start3A_17 : memref<640x128xf32, #tpu.memory_space<hbm>>) target_semaphore(%run_scoped3A : memref<!tpu.dma_semaphore, #tpu.memory_space<semaphore_mem>>)
      %dma_wait3A = arith.constant 0 : i32
      %dma_wait3A_20 = tpu.memref_slice %arg5[%add3A_16, %dma_wait3A] : memref<20480x128xf32, #tpu.memory_space<hbm>> -> memref<640x128xf32, #tpu.memory_space<hbm>>
      %dma_wait3A_21 = arith.constant 0 : i32
      %dma_wait3A_22 = tpu.memref_slice %arg6[%mul3A_11, %dma_wait3A_21] : memref<10240x128xf32, #tpu.memory_space<vmem_shared>> -> memref<640x128xf32, #tpu.memory_space<vmem_shared>>
      tpu.wait_dma2 semaphore(%run_scoped3A : memref<!tpu.dma_semaphore, #tpu.memory_space<semaphore_mem>>) src(%dma_wait3A_22 : memref<640x128xf32, #tpu.memory_space<vmem_shared>>) dst(%dma_wait3A_20 : memref<640x128xf32, #tpu.memory_space<hbm>>)
      tpu.yield
    }) : () -> ()
    return
  }
}

#map = affine_map<(d0, d1) -> (0, 0)>
module attributes {stable_mosaic.version = 14 : i64} {
  func.func @_prop_body(%arg0: i32, %arg1: i32, %arg2: memref<10240x128xf32, #tpu.memory_space<hbm>>, %arg3: memref<2560x128xi32, #tpu.memory_space<hbm>>, %arg4: memref<2560x128xi32, #tpu.memory_space<hbm>>, %arg5: memref<640x128xf32, #tpu.memory_space<hbm>>, %arg6: memref<20480x128xf32, #tpu.memory_space<hbm>>, %arg7: memref<10240x128xf32, #tpu.memory_space<vmem_shared>>, %arg8: memref<8x128xi32, #tpu.memory_space<vmem>>, %arg9: memref<8x128xi32, #tpu.memory_space<vmem>>, %arg10: memref<2x128x128xf32, #tpu.memory_space<vmem>>, %arg11: memref<!tpu.dma_semaphore, #tpu.memory_space<semaphore_mem>>, %arg12: memref<!tpu.dma_semaphore, #tpu.memory_space<semaphore_mem>>) attributes {dimension_semantics = [#tpu.dimension_semantics<core_parallel>, #tpu.dimension_semantics<subcore_parallel>], iteration_bounds = array<i64: 2, 16>, scalar_prefetch = 0 : i64, scratch_operands = 6 : i64, tpu.core_type = #tpu.core_type<sc_vector_subcore>, window_params = [{transform_indices = #map}, {transform_indices = #map}, {transform_indices = #map}, {transform_indices = #map}, {transform_indices = #map}]} {
    %mul3A = arith.constant 16 : i32
    %mul3A_0 = arith.muli %arg0, %mul3A : i32
    %add3A = arith.addi %mul3A_0, %arg1 : i32
    %mul3A_1 = arith.constant 80 : i32
    %mul3A_2 = arith.muli %add3A, %mul3A_1 : i32
    %mul3A_3 = arith.constant 640 : i32
    %mul3A_4 = arith.muli %arg1, %mul3A_3 : i32
    "tpu.region"() ({
      %run_scoped3A = tpu.sem_alloc : memref<!tpu.dma_semaphore, #tpu.memory_space<semaphore_mem>>
      %dma_start3A = arith.constant 0 : i32
      %dma_start3A_17 = tpu.memref_slice %arg7[%mul3A_4, %dma_start3A] : memref<10240x128xf32, #tpu.memory_space<vmem_shared>> -> memref<640x128xf32, #tpu.memory_space<vmem_shared>>
      tpu.enqueue_dma source(%arg5 : memref<640x128xf32, #tpu.memory_space<hbm>>) target(%dma_start3A_17 : memref<640x128xf32, #tpu.memory_space<vmem_shared>>) target_semaphore(%run_scoped3A : memref<!tpu.dma_semaphore, #tpu.memory_space<semaphore_mem>>)
      %dma_wait3A = arith.constant 0 : i32
      %dma_wait3A_18 = tpu.memref_slice %arg7[%mul3A_4, %dma_wait3A] : memref<10240x128xf32, #tpu.memory_space<vmem_shared>> -> memref<640x128xf32, #tpu.memory_space<vmem_shared>>
      tpu.wait_dma2 semaphore(%run_scoped3A : memref<!tpu.dma_semaphore, #tpu.memory_space<semaphore_mem>>) src(%arg5 : memref<640x128xf32, #tpu.memory_space<hbm>>) dst(%dma_wait3A_18 : memref<640x128xf32, #tpu.memory_space<vmem_shared>>)
      tpu.yield
    }) : () -> ()
    %barrier3A = arith.constant 0 : index
    tpu.barrier barrier_id(%barrier3A)
    %scan3A = arith.constant 0 : i32
    %scan3A_5 = arith.constant 10 : i32
    %scan3A_6 = arith.addi %scan3A, %scan3A_5 : i32
    %scan3A_7 = arith.constant 1 : i32
    scf.for %scan3A_17 = %scan3A to %scan3A_6 step %scan3A_7  : i32 {
      %mul3A_18 = arith.constant 1 : i32
      %mul3A_19 = arith.muli %scan3A_17, %mul3A_18 : i32
      %add3A_20 = arith.constant 0 : i32
      %add3A_21 = arith.addi %add3A_20, %mul3A_19 : i32
      %mul3A_22 = arith.constant 8 : i32
      %mul3A_23 = arith.muli %add3A_21, %mul3A_22 : i32
      %add3A_24 = arith.addi %mul3A_2, %mul3A_23 : i32
      "tpu.region"() ({
        %run_scoped3A = tpu.sem_alloc : memref<!tpu.dma_semaphore, #tpu.memory_space<semaphore_mem>>
        %dma_start3A_53 = arith.constant 0 : i32
        %dma_start3A_54 = tpu.memref_slice %arg3[%add3A_24, %dma_start3A_53] : memref<2560x128xi32, #tpu.memory_space<hbm>> -> memref<8x128xi32, #tpu.memory_space<hbm>>
        %dma_start3A_55 = arith.constant 0 : i32
        %dma_start3A_56 = tpu.memref_slice %arg3[%add3A_24, %dma_start3A_55] : memref<2560x128xi32, #tpu.memory_space<hbm>> -> memref<8x128xi32, #tpu.memory_space<hbm>>
        tpu.enqueue_dma source(%dma_start3A_56 : memref<8x128xi32, #tpu.memory_space<hbm>>) target(%arg8 : memref<8x128xi32, #tpu.memory_space<vmem>>) target_semaphore(%run_scoped3A : memref<!tpu.dma_semaphore, #tpu.memory_space<semaphore_mem>>)
        %dma_wait3A = arith.constant 0 : i32
        %dma_wait3A_57 = tpu.memref_slice %arg3[%add3A_24, %dma_wait3A] : memref<2560x128xi32, #tpu.memory_space<hbm>> -> memref<8x128xi32, #tpu.memory_space<hbm>>
        %dma_wait3A_58 = arith.constant 0 : i32
        %dma_wait3A_59 = tpu.memref_slice %arg3[%add3A_24, %dma_wait3A_58] : memref<2560x128xi32, #tpu.memory_space<hbm>> -> memref<8x128xi32, #tpu.memory_space<hbm>>
        tpu.wait_dma2 semaphore(%run_scoped3A : memref<!tpu.dma_semaphore, #tpu.memory_space<semaphore_mem>>) src(%dma_wait3A_59 : memref<8x128xi32, #tpu.memory_space<hbm>>) dst(%arg8 : memref<8x128xi32, #tpu.memory_space<vmem>>)
        tpu.yield
      }) : () -> ()
      "tpu.region"() ({
        %run_scoped3A = tpu.sem_alloc : memref<!tpu.dma_semaphore, #tpu.memory_space<semaphore_mem>>
        %dma_start3A_53 = arith.constant 0 : i32
        %dma_start3A_54 = tpu.memref_slice %arg4[%add3A_24, %dma_start3A_53] : memref<2560x128xi32, #tpu.memory_space<hbm>> -> memref<8x128xi32, #tpu.memory_space<hbm>>
        %dma_start3A_55 = arith.constant 0 : i32
        %dma_start3A_56 = tpu.memref_slice %arg4[%add3A_24, %dma_start3A_55] : memref<2560x128xi32, #tpu.memory_space<hbm>> -> memref<8x128xi32, #tpu.memory_space<hbm>>
        tpu.enqueue_dma source(%dma_start3A_56 : memref<8x128xi32, #tpu.memory_space<hbm>>) target(%arg9 : memref<8x128xi32, #tpu.memory_space<vmem>>) target_semaphore(%run_scoped3A : memref<!tpu.dma_semaphore, #tpu.memory_space<semaphore_mem>>)
        %dma_wait3A = arith.constant 0 : i32
        %dma_wait3A_57 = tpu.memref_slice %arg4[%add3A_24, %dma_wait3A] : memref<2560x128xi32, #tpu.memory_space<hbm>> -> memref<8x128xi32, #tpu.memory_space<hbm>>
        %dma_wait3A_58 = arith.constant 0 : i32
        %dma_wait3A_59 = tpu.memref_slice %arg4[%add3A_24, %dma_wait3A_58] : memref<2560x128xi32, #tpu.memory_space<hbm>> -> memref<8x128xi32, #tpu.memory_space<hbm>>
        tpu.wait_dma2 semaphore(%run_scoped3A : memref<!tpu.dma_semaphore, #tpu.memory_space<semaphore_mem>>) src(%dma_wait3A_59 : memref<8x128xi32, #tpu.memory_space<hbm>>) dst(%arg9 : memref<8x128xi32, #tpu.memory_space<vmem>>)
        tpu.yield
      }) : () -> ()
      %dma_start3A = arith.constant 0 : i32
      %dma_start3A_25 = arith.constant 0 : i32
      %dma_start3A_26 = arith.constant 0 : i32
      %dma_start3A_27 = arith.constant 0 : i32
      %dma_start3A_28 = tpu.memref_slice %arg10[%dma_start3A_25, %dma_start3A_26, %dma_start3A_27] : memref<2x128x128xf32, #tpu.memory_space<vmem>> -> memref<1x128x128xf32, #tpu.memory_space<vmem>>
      %dma_start3A_29 = tpu.memref_squeeze %dma_start3A_28 : memref<1x128x128xf32, #tpu.memory_space<vmem>> -> memref<128x128xf32, #tpu.memory_space<vmem>>
      %dma_start3A_30 = arith.constant 0 : i32
      %dma_start3A_31 = tpu.memref_slice %arg8[%dma_start3A, %dma_start3A_30] : memref<8x128xi32, #tpu.memory_space<vmem>> -> memref<1x128xi32, #tpu.memory_space<vmem>>
      %dma_start3A_32 = tpu.memref_squeeze %dma_start3A_31 : memref<1x128xi32, #tpu.memory_space<vmem>> -> memref<128xi32, #tpu.memory_space<vmem>>
      %dma_start3A_33 = arith.constant 0 : i32
      %dma_start3A_34 = arith.constant 0 : i32
      %dma_start3A_35 = tpu.memref_slice %arg2[%dma_start3A_33, %dma_start3A_34] : memref<10240x128xf32, #tpu.memory_space<hbm>> -> memref<10240x128xf32, #tpu.memory_space<hbm>>
      tpu.enqueue_indirect_dma source(%dma_start3A_35 : memref<10240x128xf32, #tpu.memory_space<hbm>>) target(%dma_start3A_29 : memref<128x128xf32, #tpu.memory_space<vmem>>) offsets(%dma_start3A_32 : memref<128xi32, #tpu.memory_space<vmem>>) semaphore(%arg11 : memref<!tpu.dma_semaphore, #tpu.memory_space<semaphore_mem>>)
      %dma_start3A_36 = arith.constant 1 : i32
      %dma_start3A_37 = arith.constant 1 : i32
      %dma_start3A_38 = arith.constant 0 : i32
      %dma_start3A_39 = arith.constant 0 : i32
      %dma_start3A_40 = tpu.memref_slice %arg10[%dma_start3A_37, %dma_start3A_38, %dma_start3A_39] : memref<2x128x128xf32, #tpu.memory_space<vmem>> -> memref<1x128x128xf32, #tpu.memory_space<vmem>>
      %dma_start3A_41 = tpu.memref_squeeze %dma_start3A_40 : memref<1x128x128xf32, #tpu.memory_space<vmem>> -> memref<128x128xf32, #tpu.memory_space<vmem>>
      %dma_start3A_42 = arith.constant 0 : i32
      %dma_start3A_43 = tpu.memref_slice %arg8[%dma_start3A_36, %dma_start3A_42] : memref<8x128xi32, #tpu.memory_space<vmem>> -> memref<1x128xi32, #tpu.memory_space<vmem>>
      %dma_start3A_44 = tpu.memref_squeeze %dma_start3A_43 : memref<1x128xi32, #tpu.memory_space<vmem>> -> memref<128xi32, #tpu.memory_space<vmem>>
      %dma_start3A_45 = arith.constant 0 : i32
      %dma_start3A_46 = arith.constant 0 : i32
      %dma_start3A_47 = tpu.memref_slice %arg2[%dma_start3A_45, %dma_start3A_46] : memref<10240x128xf32, #tpu.memory_space<hbm>> -> memref<10240x128xf32, #tpu.memory_space<hbm>>
      tpu.enqueue_indirect_dma source(%dma_start3A_47 : memref<10240x128xf32, #tpu.memory_space<hbm>>) target(%dma_start3A_41 : memref<128x128xf32, #tpu.memory_space<vmem>>) offsets(%dma_start3A_44 : memref<128xi32, #tpu.memory_space<vmem>>) semaphore(%arg12 : memref<!tpu.dma_semaphore, #tpu.memory_space<semaphore_mem>>)
      %scan3A_48 = arith.constant 0 : i32
      %scan3A_49 = arith.constant 4 : i32
      %scan3A_50 = arith.addi %scan3A_48, %scan3A_49 : i32
      %scan3A_51 = arith.constant 1 : i32
      scf.for %scan3A_53 = %scan3A_48 to %scan3A_50 step %scan3A_51  : i32 {
        %mul3A_54 = arith.constant 2 : i32
        %mul3A_55 = arith.muli %scan3A_53, %mul3A_54 : i32
        %add3A_56 = arith.constant 0 : i32
        %add3A_57 = arith.addi %add3A_56, %mul3A_55 : i32
        %add3A_58 = arith.constant 0 : i32
        %add3A_59 = arith.addi %add3A_57, %add3A_58 : i32
        %dma_wait3A = arith.constant 0 : i32
        %dma_wait3A_60 = arith.constant 0 : i32
        %dma_wait3A_61 = arith.constant 0 : i32
        %dma_wait3A_62 = tpu.memref_slice %arg10[%dma_wait3A, %dma_wait3A_60, %dma_wait3A_61] : memref<2x128x128xf32, #tpu.memory_space<vmem>> -> memref<1x128x128xf32, #tpu.memory_space<vmem>>
        %dma_wait3A_63 = tpu.memref_squeeze %dma_wait3A_62 : memref<1x128x128xf32, #tpu.memory_space<vmem>> -> memref<128x128xf32, #tpu.memory_space<vmem>>
        %dma_wait3A_64 = arith.constant 0 : i32
        %dma_wait3A_65 = tpu.memref_slice %arg8[%add3A_59, %dma_wait3A_64] : memref<8x128xi32, #tpu.memory_space<vmem>> -> memref<1x128xi32, #tpu.memory_space<vmem>>
        %dma_wait3A_66 = tpu.memref_squeeze %dma_wait3A_65 : memref<1x128xi32, #tpu.memory_space<vmem>> -> memref<128xi32, #tpu.memory_space<vmem>>
        %dma_wait3A_67 = arith.constant 0 : i32
        %dma_wait3A_68 = arith.constant 0 : i32
        %dma_wait3A_69 = tpu.memref_slice %arg2[%dma_wait3A_67, %dma_wait3A_68] : memref<10240x128xf32, #tpu.memory_space<hbm>> -> memref<10240x128xf32, #tpu.memory_space<hbm>>
        tpu.wait_indirect_dma semaphore(%arg11 : memref<!tpu.dma_semaphore, #tpu.memory_space<semaphore_mem>>) src(%dma_wait3A_69 : memref<10240x128xf32, #tpu.memory_space<hbm>>) dst(%dma_wait3A_63 : memref<128x128xf32, #tpu.memory_space<vmem>>)
        %run_scoped3A = arith.constant 0 : i32
        "tpu.region"() ({
          %run_scoped3A_95 = tpu.sem_alloc : memref<!tpu.dma_semaphore, #tpu.memory_space<semaphore_mem>>
          %dma_start3A_96 = arith.constant 0 : i32
          %dma_start3A_97 = arith.constant 0 : i32
          %dma_start3A_98 = tpu.memref_slice %arg10[%run_scoped3A, %dma_start3A_96, %dma_start3A_97] : memref<2x128x128xf32, #tpu.memory_space<vmem>> -> memref<1x128x128xf32, #tpu.memory_space<vmem>>
          %dma_start3A_99 = tpu.memref_squeeze %dma_start3A_98 : memref<1x128x128xf32, #tpu.memory_space<vmem>> -> memref<128x128xf32, #tpu.memory_space<vmem>>
          %dma_start3A_100 = arith.constant 0 : i32
          %dma_start3A_101 = tpu.memref_slice %arg9[%add3A_59, %dma_start3A_100] : memref<8x128xi32, #tpu.memory_space<vmem>> -> memref<1x128xi32, #tpu.memory_space<vmem>>
          %dma_start3A_102 = tpu.memref_squeeze %dma_start3A_101 : memref<1x128xi32, #tpu.memory_space<vmem>> -> memref<128xi32, #tpu.memory_space<vmem>>
          %dma_start3A_103 = arith.constant 0 : i32
          %dma_start3A_104 = arith.constant 0 : i32
          %dma_start3A_105 = tpu.memref_slice %arg7[%dma_start3A_103, %dma_start3A_104] : memref<10240x128xf32, #tpu.memory_space<vmem_shared>> -> memref<10240x128xf32, #tpu.memory_space<vmem_shared>>
          tpu.enqueue_indirect_dma source(%dma_start3A_99 : memref<128x128xf32, #tpu.memory_space<vmem>>) target(%dma_start3A_105 : memref<10240x128xf32, #tpu.memory_space<vmem_shared>>) offsets(%dma_start3A_102 : memref<128xi32, #tpu.memory_space<vmem>>) semaphore(%run_scoped3A_95 : memref<!tpu.dma_semaphore, #tpu.memory_space<semaphore_mem>>) {add = true}
          %dma_wait3A_106 = arith.constant 0 : i32
          %dma_wait3A_107 = arith.constant 0 : i32
          %dma_wait3A_108 = tpu.memref_slice %arg10[%run_scoped3A, %dma_wait3A_106, %dma_wait3A_107] : memref<2x128x128xf32, #tpu.memory_space<vmem>> -> memref<1x128x128xf32, #tpu.memory_space<vmem>>
          %dma_wait3A_109 = tpu.memref_squeeze %dma_wait3A_108 : memref<1x128x128xf32, #tpu.memory_space<vmem>> -> memref<128x128xf32, #tpu.memory_space<vmem>>
          %dma_wait3A_110 = arith.constant 0 : i32
          %dma_wait3A_111 = tpu.memref_slice %arg9[%add3A_59, %dma_wait3A_110] : memref<8x128xi32, #tpu.memory_space<vmem>> -> memref<1x128xi32, #tpu.memory_space<vmem>>
          %dma_wait3A_112 = tpu.memref_squeeze %dma_wait3A_111 : memref<1x128xi32, #tpu.memory_space<vmem>> -> memref<128xi32, #tpu.memory_space<vmem>>
          %dma_wait3A_113 = arith.constant 0 : i32
          %dma_wait3A_114 = arith.constant 0 : i32
          %dma_wait3A_115 = tpu.memref_slice %arg7[%dma_wait3A_113, %dma_wait3A_114] : memref<10240x128xf32, #tpu.memory_space<vmem_shared>> -> memref<10240x128xf32, #tpu.memory_space<vmem_shared>>
          tpu.wait_indirect_dma semaphore(%run_scoped3A_95 : memref<!tpu.dma_semaphore, #tpu.memory_space<semaphore_mem>>) src(%dma_wait3A_109 : memref<128x128xf32, #tpu.memory_space<vmem>>) dst(%dma_wait3A_115 : memref<10240x128xf32, #tpu.memory_space<vmem_shared>>)
          tpu.yield
        }) : () -> ()
        %add3A_70 = arith.constant 2 : i32
        %add3A_71 = arith.addi %add3A_59, %add3A_70 : i32
        %lt3A = arith.constant 8 : i32
        %lt3A_72 = arith.cmpi slt, %add3A_71, %lt3A : i32
        %convert_element_type3A = arith.extui %lt3A_72 : i1 to i32
        %cond3A = arith.constant 0 : i32
        %cond3A_73 = arith.cmpi ne, %convert_element_type3A, %cond3A : i32
        scf.if %cond3A_73 {
          %add3A_95 = arith.constant 2 : i32
          %add3A_96 = arith.addi %add3A_59, %add3A_95 : i32
          %dma_start3A_97 = arith.constant 0 : i32
          %dma_start3A_98 = arith.constant 0 : i32
          %dma_start3A_99 = arith.constant 0 : i32
          %dma_start3A_100 = tpu.memref_slice %arg10[%dma_start3A_97, %dma_start3A_98, %dma_start3A_99] : memref<2x128x128xf32, #tpu.memory_space<vmem>> -> memref<1x128x128xf32, #tpu.memory_space<vmem>>
          %dma_start3A_101 = tpu.memref_squeeze %dma_start3A_100 : memref<1x128x128xf32, #tpu.memory_space<vmem>> -> memref<128x128xf32, #tpu.memory_space<vmem>>
          %dma_start3A_102 = arith.constant 0 : i32
          %dma_start3A_103 = tpu.memref_slice %arg8[%add3A_96, %dma_start3A_102] : memref<8x128xi32, #tpu.memory_space<vmem>> -> memref<1x128xi32, #tpu.memory_space<vmem>>
          %dma_start3A_104 = tpu.memref_squeeze %dma_start3A_103 : memref<1x128xi32, #tpu.memory_space<vmem>> -> memref<128xi32, #tpu.memory_space<vmem>>
          %dma_start3A_105 = arith.constant 0 : i32
          %dma_start3A_106 = arith.constant 0 : i32
          %dma_start3A_107 = tpu.memref_slice %arg2[%dma_start3A_105, %dma_start3A_106] : memref<10240x128xf32, #tpu.memory_space<hbm>> -> memref<10240x128xf32, #tpu.memory_space<hbm>>
          tpu.enqueue_indirect_dma source(%dma_start3A_107 : memref<10240x128xf32, #tpu.memory_space<hbm>>) target(%dma_start3A_101 : memref<128x128xf32, #tpu.memory_space<vmem>>) offsets(%dma_start3A_104 : memref<128xi32, #tpu.memory_space<vmem>>) semaphore(%arg11 : memref<!tpu.dma_semaphore, #tpu.memory_space<semaphore_mem>>)
        } else {
        }
        %add3A_74 = arith.constant 1 : i32
        %add3A_75 = arith.addi %add3A_57, %add3A_74 : i32
        %dma_wait3A_76 = arith.constant 1 : i32
        %dma_wait3A_77 = arith.constant 0 : i32
        %dma_wait3A_78 = arith.constant 0 : i32
        %dma_wait3A_79 = tpu.memref_slice %arg10[%dma_wait3A_76, %dma_wait3A_77, %dma_wait3A_78] : memref<2x128x128xf32, #tpu.memory_space<vmem>> -> memref<1x128x128xf32, #tpu.memory_space<vmem>>
        %dma_wait3A_80 = tpu.memref_squeeze %dma_wait3A_79 : memref<1x128x128xf32, #tpu.memory_space<vmem>> -> memref<128x128xf32, #tpu.memory_space<vmem>>
        %dma_wait3A_81 = arith.constant 0 : i32
        %dma_wait3A_82 = tpu.memref_slice %arg8[%add3A_75, %dma_wait3A_81] : memref<8x128xi32, #tpu.memory_space<vmem>> -> memref<1x128xi32, #tpu.memory_space<vmem>>
        %dma_wait3A_83 = tpu.memref_squeeze %dma_wait3A_82 : memref<1x128xi32, #tpu.memory_space<vmem>> -> memref<128xi32, #tpu.memory_space<vmem>>
        %dma_wait3A_84 = arith.constant 0 : i32
        %dma_wait3A_85 = arith.constant 0 : i32
        %dma_wait3A_86 = tpu.memref_slice %arg2[%dma_wait3A_84, %dma_wait3A_85] : memref<10240x128xf32, #tpu.memory_space<hbm>> -> memref<10240x128xf32, #tpu.memory_space<hbm>>
        tpu.wait_indirect_dma semaphore(%arg12 : memref<!tpu.dma_semaphore, #tpu.memory_space<semaphore_mem>>) src(%dma_wait3A_86 : memref<10240x128xf32, #tpu.memory_space<hbm>>) dst(%dma_wait3A_80 : memref<128x128xf32, #tpu.memory_space<vmem>>)
        %run_scoped3A_87 = arith.constant 1 : i32
        "tpu.region"() ({
          %run_scoped3A_95 = tpu.sem_alloc : memref<!tpu.dma_semaphore, #tpu.memory_space<semaphore_mem>>
          %dma_start3A_96 = arith.constant 0 : i32
          %dma_start3A_97 = arith.constant 0 : i32
          %dma_start3A_98 = tpu.memref_slice %arg10[%run_scoped3A_87, %dma_start3A_96, %dma_start3A_97] : memref<2x128x128xf32, #tpu.memory_space<vmem>> -> memref<1x128x128xf32, #tpu.memory_space<vmem>>
          %dma_start3A_99 = tpu.memref_squeeze %dma_start3A_98 : memref<1x128x128xf32, #tpu.memory_space<vmem>> -> memref<128x128xf32, #tpu.memory_space<vmem>>
          %dma_start3A_100 = arith.constant 0 : i32
          %dma_start3A_101 = tpu.memref_slice %arg9[%add3A_75, %dma_start3A_100] : memref<8x128xi32, #tpu.memory_space<vmem>> -> memref<1x128xi32, #tpu.memory_space<vmem>>
          %dma_start3A_102 = tpu.memref_squeeze %dma_start3A_101 : memref<1x128xi32, #tpu.memory_space<vmem>> -> memref<128xi32, #tpu.memory_space<vmem>>
          %dma_start3A_103 = arith.constant 0 : i32
          %dma_start3A_104 = arith.constant 0 : i32
          %dma_start3A_105 = tpu.memref_slice %arg7[%dma_start3A_103, %dma_start3A_104] : memref<10240x128xf32, #tpu.memory_space<vmem_shared>> -> memref<10240x128xf32, #tpu.memory_space<vmem_shared>>
          tpu.enqueue_indirect_dma source(%dma_start3A_99 : memref<128x128xf32, #tpu.memory_space<vmem>>) target(%dma_start3A_105 : memref<10240x128xf32, #tpu.memory_space<vmem_shared>>) offsets(%dma_start3A_102 : memref<128xi32, #tpu.memory_space<vmem>>) semaphore(%run_scoped3A_95 : memref<!tpu.dma_semaphore, #tpu.memory_space<semaphore_mem>>) {add = true}
          %dma_wait3A_106 = arith.constant 0 : i32
          %dma_wait3A_107 = arith.constant 0 : i32
          %dma_wait3A_108 = tpu.memref_slice %arg10[%run_scoped3A_87, %dma_wait3A_106, %dma_wait3A_107] : memref<2x128x128xf32, #tpu.memory_space<vmem>> -> memref<1x128x128xf32, #tpu.memory_space<vmem>>
          %dma_wait3A_109 = tpu.memref_squeeze %dma_wait3A_108 : memref<1x128x128xf32, #tpu.memory_space<vmem>> -> memref<128x128xf32, #tpu.memory_space<vmem>>
          %dma_wait3A_110 = arith.constant 0 : i32
          %dma_wait3A_111 = tpu.memref_slice %arg9[%add3A_75, %dma_wait3A_110] : memref<8x128xi32, #tpu.memory_space<vmem>> -> memref<1x128xi32, #tpu.memory_space<vmem>>
          %dma_wait3A_112 = tpu.memref_squeeze %dma_wait3A_111 : memref<1x128xi32, #tpu.memory_space<vmem>> -> memref<128xi32, #tpu.memory_space<vmem>>
          %dma_wait3A_113 = arith.constant 0 : i32
          %dma_wait3A_114 = arith.constant 0 : i32
          %dma_wait3A_115 = tpu.memref_slice %arg7[%dma_wait3A_113, %dma_wait3A_114] : memref<10240x128xf32, #tpu.memory_space<vmem_shared>> -> memref<10240x128xf32, #tpu.memory_space<vmem_shared>>
          tpu.wait_indirect_dma semaphore(%run_scoped3A_95 : memref<!tpu.dma_semaphore, #tpu.memory_space<semaphore_mem>>) src(%dma_wait3A_109 : memref<128x128xf32, #tpu.memory_space<vmem>>) dst(%dma_wait3A_115 : memref<10240x128xf32, #tpu.memory_space<vmem_shared>>)
          tpu.yield
        }) : () -> ()
        %add3A_88 = arith.constant 2 : i32
        %add3A_89 = arith.addi %add3A_75, %add3A_88 : i32
        %lt3A_90 = arith.constant 8 : i32
        %lt3A_91 = arith.cmpi slt, %add3A_89, %lt3A_90 : i32
        %convert_element_type3A_92 = arith.extui %lt3A_91 : i1 to i32
        %cond3A_93 = arith.constant 0 : i32
        %cond3A_94 = arith.cmpi ne, %convert_element_type3A_92, %cond3A_93 : i32
        scf.if %cond3A_94 {
          %add3A_95 = arith.constant 2 : i32
          %add3A_96 = arith.addi %add3A_75, %add3A_95 : i32
          %dma_start3A_97 = arith.constant 1 : i32
          %dma_start3A_98 = arith.constant 0 : i32
          %dma_start3A_99 = arith.constant 0 : i32
          %dma_start3A_100 = tpu.memref_slice %arg10[%dma_start3A_97, %dma_start3A_98, %dma_start3A_99] : memref<2x128x128xf32, #tpu.memory_space<vmem>> -> memref<1x128x128xf32, #tpu.memory_space<vmem>>
          %dma_start3A_101 = tpu.memref_squeeze %dma_start3A_100 : memref<1x128x128xf32, #tpu.memory_space<vmem>> -> memref<128x128xf32, #tpu.memory_space<vmem>>
          %dma_start3A_102 = arith.constant 0 : i32
          %dma_start3A_103 = tpu.memref_slice %arg8[%add3A_96, %dma_start3A_102] : memref<8x128xi32, #tpu.memory_space<vmem>> -> memref<1x128xi32, #tpu.memory_space<vmem>>
          %dma_start3A_104 = tpu.memref_squeeze %dma_start3A_103 : memref<1x128xi32, #tpu.memory_space<vmem>> -> memref<128xi32, #tpu.memory_space<vmem>>
          %dma_start3A_105 = arith.constant 0 : i32
          %dma_start3A_106 = arith.constant 0 : i32
          %dma_start3A_107 = tpu.memref_slice %arg2[%dma_start3A_105, %dma_start3A_106] : memref<10240x128xf32, #tpu.memory_space<hbm>> -> memref<10240x128xf32, #tpu.memory_space<hbm>>
          tpu.enqueue_indirect_dma source(%dma_start3A_107 : memref<10240x128xf32, #tpu.memory_space<hbm>>) target(%dma_start3A_101 : memref<128x128xf32, #tpu.memory_space<vmem>>) offsets(%dma_start3A_104 : memref<128xi32, #tpu.memory_space<vmem>>) semaphore(%arg12 : memref<!tpu.dma_semaphore, #tpu.memory_space<semaphore_mem>>)
        } else {
        }
      }
      %scan3A_52 = arith.constant 4 : i32
    }
    %scan3A_8 = arith.constant 10 : i32
    %barrier3A_9 = arith.constant 0 : index
    tpu.barrier barrier_id(%barrier3A_9)
    %mul3A_10 = arith.constant 640 : i32
    %mul3A_11 = arith.muli %arg1, %mul3A_10 : i32
    %mul3A_12 = arith.constant 10240 : i32
    %mul3A_13 = arith.muli %arg0, %mul3A_12 : i32
    %mul3A_14 = arith.constant 640 : i32
    %mul3A_15 = arith.muli %arg1, %mul3A_14 : i32
    %add3A_16 = arith.addi %mul3A_13, %mul3A_15 : i32
    "tpu.region"() ({
      %run_scoped3A = tpu.sem_alloc : memref<!tpu.dma_semaphore, #tpu.memory_space<semaphore_mem>>
      %dma_start3A = arith.constant 0 : i32
      %dma_start3A_17 = tpu.memref_slice %arg6[%add3A_16, %dma_start3A] : memref<20480x128xf32, #tpu.memory_space<hbm>> -> memref<640x128xf32, #tpu.memory_space<hbm>>
      %dma_start3A_18 = arith.constant 0 : i32
      %dma_start3A_19 = tpu.memref_slice %arg7[%mul3A_11, %dma_start3A_18] : memref<10240x128xf32, #tpu.memory_space<vmem_shared>> -> memref<640x128xf32, #tpu.memory_space<vmem_shared>>
      tpu.enqueue_dma source(%dma_start3A_19 : memref<640x128xf32, #tpu.memory_space<vmem_shared>>) target(%dma_start3A_17 : memref<640x128xf32, #tpu.memory_space<hbm>>) target_semaphore(%run_scoped3A : memref<!tpu.dma_semaphore, #tpu.memory_space<semaphore_mem>>)
      %dma_wait3A = arith.constant 0 : i32
      %dma_wait3A_20 = tpu.memref_slice %arg6[%add3A_16, %dma_wait3A] : memref<20480x128xf32, #tpu.memory_space<hbm>> -> memref<640x128xf32, #tpu.memory_space<hbm>>
      %dma_wait3A_21 = arith.constant 0 : i32
      %dma_wait3A_22 = tpu.memref_slice %arg7[%mul3A_11, %dma_wait3A_21] : memref<10240x128xf32, #tpu.memory_space<vmem_shared>> -> memref<640x128xf32, #tpu.memory_space<vmem_shared>>
      tpu.wait_dma2 semaphore(%run_scoped3A : memref<!tpu.dma_semaphore, #tpu.memory_space<semaphore_mem>>) src(%dma_wait3A_22 : memref<640x128xf32, #tpu.memory_space<vmem_shared>>) dst(%dma_wait3A_20 : memref<640x128xf32, #tpu.memory_space<hbm>>)
      tpu.yield
    }) : () -> ()
    return
  }
}

module attributes {stable_mosaic.version = 14 : i64} {
  func.func @_p1_body(%arg0: memref<10240x128xf32, #tpu.memory_space<vmem>>, %arg1: memref<20480x128xf32, #tpu.memory_space<vmem>>, %arg2: memref<1x128xf32, #tpu.memory_space<vmem>>, %arg3: memref<1x128xf32, #tpu.memory_space<vmem>>, %arg4: memref<10240x128xf32, #tpu.memory_space<vmem>>, %arg5: memref<10240x1xf32, #tpu.memory_space<vmem>>) attributes {dimension_semantics = [], scalar_prefetch = 0 : i64, scratch_operands = 0 : i64, tpu.core_type = #tpu.core_type<tc>} {
    %get3A = arith.constant 0 : index
    %get3A_0 = arith.constant 0 : index
    %get3A_1 = vector.load %arg1[%get3A, %get3A_0] : memref<20480x128xf32, #tpu.memory_space<vmem>>, vector<20480x128xf32>
    %slice3A = vector.extract_strided_slice %get3A_1 {offsets = [0, 0], sizes = [10240, 1], strides = [1, 1]} : vector<20480x128xf32> to vector<10240x1xf32>
    %slice3A_2 = vector.extract_strided_slice %get3A_1 {offsets = [10240, 0], sizes = [10240, 1], strides = [1, 1]} : vector<20480x128xf32> to vector<10240x1xf32>
    %add3A = arith.addf %slice3A, %slice3A_2 : vector<10240x1xf32>
    %add3A_3 = arith.constant 1.000000e+00 : f32
    %add3A_4 = vector.broadcast %add3A_3 : f32 to vector<10240x1xf32>
    %add3A_5 = arith.addf %add3A, %add3A_4 : vector<10240x1xf32>
    %rsqrt3A = math.rsqrt %add3A_5 : vector<10240x1xf32>
    %get3A_6 = arith.constant 0 : index
    %get3A_7 = arith.constant 0 : index
    %get3A_8 = vector.load %arg0[%get3A_6, %get3A_7] : memref<10240x128xf32, #tpu.memory_space<vmem>>, vector<10240x128xf32>
    %iota3A = tpu.iota {dimensions = array<i32: 0>} : vector<10240x1xi32>
    %lt3A = arith.constant 10000 : i32
    %lt3A_9 = vector.broadcast %lt3A : i32 to vector<10240x1xi32>
    %lt3A_10 = arith.cmpi slt, %iota3A, %lt3A_9 : vector<10240x1xi32>
    %convert_element_type3A = arith.extui %lt3A_10 : vector<10240x1xi1> to vector<10240x1xi32>
    %convert_element_type3A_11 = arith.sitofp %convert_element_type3A : vector<10240x1xi32> to vector<10240x1xf32>
    %reduce_sum3A = arith.constant dense<0.000000e+00> : vector<128xf32>
    %reduce_sum3A_12 = vector.multi_reduction <add>, %get3A_8, %reduce_sum3A [0] : vector<10240x128xf32> to vector<128xf32>
    %broadcast_in_dim3A = vector.shape_cast %reduce_sum3A_12 : vector<128xf32> to vector<1x128xf32>
    %mul3A = arith.constant 9.99999974E-5 : f32
    %mul3A_13 = vector.broadcast %mul3A : f32 to vector<1x128xf32>
    %mul3A_14 = arith.mulf %broadcast_in_dim3A, %mul3A_13 : vector<1x128xf32>
    %sub3A = vector.broadcast %mul3A_14 : vector<1x128xf32> to vector<10240x128xf32>
    %sub3A_15 = arith.subf %get3A_8, %sub3A : vector<10240x128xf32>
    %mul3A_16 = vector.broadcast %convert_element_type3A_11 : vector<10240x1xf32> to vector<10240x128xf32>
    %mul3A_17 = arith.mulf %sub3A_15, %mul3A_16 : vector<10240x128xf32>
    %mul3A_18 = arith.mulf %mul3A_17, %mul3A_17 : vector<10240x128xf32>
    %reduce_sum3A_19 = arith.constant dense<0.000000e+00> : vector<128xf32>
    %reduce_sum3A_20 = vector.multi_reduction <add>, %mul3A_18, %reduce_sum3A_19 [0] : vector<10240x128xf32> to vector<128xf32>
    %broadcast_in_dim3A_21 = vector.shape_cast %reduce_sum3A_20 : vector<128xf32> to vector<1x128xf32>
    %mul3A_22 = arith.constant 9.99999974E-5 : f32
    %mul3A_23 = vector.broadcast %mul3A_22 : f32 to vector<1x128xf32>
    %mul3A_24 = arith.mulf %broadcast_in_dim3A_21, %mul3A_23 : vector<1x128xf32>
    %get3A_25 = arith.constant 0 : index
    %get3A_26 = arith.constant 0 : index
    %get3A_27 = vector.load %arg2[%get3A_25, %get3A_26] : memref<1x128xf32, #tpu.memory_space<vmem>>, vector<1x128xf32>
    %add3A_28 = arith.constant 9.99999974E-6 : f32
    %add3A_29 = vector.broadcast %add3A_28 : f32 to vector<1x128xf32>
    %add3A_30 = arith.addf %mul3A_24, %add3A_29 : vector<1x128xf32>
    %rsqrt3A_31 = math.rsqrt %add3A_30 : vector<1x128xf32>
    %mul3A_32 = arith.mulf %get3A_27, %rsqrt3A_31 : vector<1x128xf32>
    %get3A_33 = arith.constant 0 : index
    %get3A_34 = arith.constant 0 : index
    %get3A_35 = vector.load %arg3[%get3A_33, %get3A_34] : memref<1x128xf32, #tpu.memory_space<vmem>>, vector<1x128xf32>
    %mul3A_36 = arith.mulf %mul3A_14, %mul3A_32 : vector<1x128xf32>
    %sub3A_37 = arith.subf %get3A_35, %mul3A_36 : vector<1x128xf32>
    %mul3A_38 = vector.broadcast %mul3A_32 : vector<1x128xf32> to vector<10240x128xf32>
    %mul3A_39 = arith.mulf %get3A_8, %mul3A_38 : vector<10240x128xf32>
    %add3A_40 = vector.broadcast %sub3A_37 : vector<1x128xf32> to vector<10240x128xf32>
    %add3A_41 = arith.addf %mul3A_39, %add3A_40 : vector<10240x128xf32>
    %convert_element_type3A_42 = arith.truncf %add3A_41 : vector<10240x128xf32> to vector<10240x128xbf16>
    %convert_element_type3A_43 = arith.extf %convert_element_type3A_42 : vector<10240x128xbf16> to vector<10240x128xf32>
    %mul3A_44 = vector.broadcast %rsqrt3A : vector<10240x1xf32> to vector<10240x128xf32>
    %mul3A_45 = arith.mulf %convert_element_type3A_43, %mul3A_44 : vector<10240x128xf32>
    %mul3A_46 = vector.broadcast %convert_element_type3A_11 : vector<10240x1xf32> to vector<10240x128xf32>
    %mul3A_47 = arith.mulf %mul3A_45, %mul3A_46 : vector<10240x128xf32>
    %swap3A = arith.constant 0 : index
    %swap3A_48 = arith.constant 0 : index
    %swap3A_49 = vector.load %arg4[%swap3A, %swap3A_48] : memref<10240x128xf32, #tpu.memory_space<vmem>>, vector<10240x128xf32>
    tpu.vector_store %arg4[%swap3A, %swap3A_48], %mul3A_47 {strides = array<i32>} : memref<10240x128xf32, #tpu.memory_space<vmem>>, vector<10240x128xf32>,
    %swap3A_50 = arith.constant 0 : index
    %swap3A_51 = arith.constant 0 : index
    %swap3A_52 = vector.load %arg5[%swap3A_50, %swap3A_51] : memref<10240x1xf32, #tpu.memory_space<vmem>>, vector<10240x1xf32>
    tpu.vector_store %arg5[%swap3A_50, %swap3A_51], %rsqrt3A {strides = array<i32>} : memref<10240x1xf32, #tpu.memory_space<vmem>>, vector<10240x1xf32>,
    return
  }
}

module attributes {stable_mosaic.version = 14 : i64} {
  func.func @_p2_body(%arg0: memref<20480x128xf32, #tpu.memory_space<vmem>>, %arg1: memref<10240x128xf32, #tpu.memory_space<vmem>>, %arg2: memref<10240x1xf32, #tpu.memory_space<vmem>>, %arg3: memref<128x128xf32, #tpu.memory_space<vmem>>, %arg4: memref<10240x128xf32, #tpu.memory_space<vmem>>, %arg5: memref<128x1xf32, #tpu.memory_space<vmem>>) attributes {dimension_semantics = [], scalar_prefetch = 0 : i64, scratch_operands = 0 : i64, tpu.core_type = #tpu.core_type<tc>} {
    %get3A = arith.constant 0 : index
    %get3A_0 = arith.constant 0 : index
    %get3A_1 = vector.load %arg0[%get3A, %get3A_0] : memref<20480x128xf32, #tpu.memory_space<vmem>>, vector<10240x128xf32>
    %get3A_2 = arith.constant 10240 : index
    %get3A_3 = arith.constant 0 : index
    %get3A_4 = vector.load %arg0[%get3A_2, %get3A_3] : memref<20480x128xf32, #tpu.memory_space<vmem>>, vector<10240x128xf32>
    %add3A = arith.addf %get3A_1, %get3A_4 : vector<10240x128xf32>
    %get3A_5 = arith.constant 0 : index
    %get3A_6 = arith.constant 0 : index
    %get3A_7 = vector.load %arg1[%get3A_5, %get3A_6] : memref<10240x128xf32, #tpu.memory_space<vmem>>, vector<10240x128xf32>
    %add3A_8 = arith.addf %add3A, %get3A_7 : vector<10240x128xf32>
    %get3A_9 = arith.constant 0 : index
    %get3A_10 = arith.constant 0 : index
    %get3A_11 = vector.load %arg2[%get3A_9, %get3A_10] : memref<10240x1xf32, #tpu.memory_space<vmem>>, vector<10240x1xf32>
    %mul3A = vector.broadcast %get3A_11 : vector<10240x1xf32> to vector<10240x128xf32>
    %mul3A_12 = arith.mulf %add3A_8, %mul3A : vector<10240x128xf32>
    %swap3A = arith.constant 0 : index
    %swap3A_13 = arith.constant 0 : index
    %swap3A_14 = vector.load %arg4[%swap3A, %swap3A_13] : memref<10240x128xf32, #tpu.memory_space<vmem>>, vector<10240x128xf32>
    tpu.vector_store %arg4[%swap3A, %swap3A_13], %mul3A_12 {strides = array<i32>} : memref<10240x128xf32, #tpu.memory_space<vmem>>, vector<10240x128xf32>,
    %get3A_15 = arith.constant 0 : index
    %get3A_16 = arith.constant 0 : index
    %get3A_17 = vector.load %arg3[%get3A_15, %get3A_16] : memref<128x128xf32, #tpu.memory_space<vmem>>, vector<128x128xf32>
    %convert_element_type3A = arith.truncf %get3A_17 : vector<128x128xf32> to vector<128x128xbf16>
    %convert_element_type3A_18 = arith.extf %convert_element_type3A : vector<128x128xbf16> to vector<128x128xf32>
    %reduce_sum3A = arith.constant dense<0.000000e+00> : vector<128xf32>
    %reduce_sum3A_19 = vector.multi_reduction <add>, %convert_element_type3A_18, %reduce_sum3A [1] : vector<128x128xf32> to vector<128xf32>
    %broadcast_in_dim3A = vector.shape_cast %reduce_sum3A_19 : vector<128xf32> to vector<128x1xf32>
    %swap3A_20 = arith.constant 0 : index
    %swap3A_21 = arith.constant 0 : index
    %swap3A_22 = vector.load %arg5[%swap3A_20, %swap3A_21] : memref<128x1xf32, #tpu.memory_space<vmem>>, vector<128x1xf32>
    tpu.vector_store %arg5[%swap3A_20, %swap3A_21], %broadcast_in_dim3A {strides = array<i32>} : memref<128x1xf32, #tpu.memory_space<vmem>>, vector<128x1xf32>,
    return
  }
}

module attributes {stable_mosaic.version = 14 : i64} {
  func.func @_s1_body(%arg0: memref<10240x128xf32, #tpu.memory_space<vmem>>, %arg1: memref<128x128xf32, #tpu.memory_space<vmem>>, %arg2: memref<1x128xf32, #tpu.memory_space<vmem>>, %arg3: memref<1x128xf32, #tpu.memory_space<vmem>>, %arg4: memref<1x128xf32, #tpu.memory_space<vmem>>, %arg5: memref<10240x1xf32, #tpu.memory_space<vmem>>, %arg6: memref<128x128xf32, #tpu.memory_space<vmem>>, %arg7: memref<10240x128xf32, #tpu.memory_space<vmem>>) attributes {dimension_semantics = [], scalar_prefetch = 0 : i64, scratch_operands = 0 : i64, tpu.core_type = #tpu.core_type<tc>} {
    %get3A = arith.constant 0 : index
    %get3A_0 = arith.constant 0 : index
    %get3A_1 = vector.load %arg0[%get3A, %get3A_0] : memref<10240x128xf32, #tpu.memory_space<vmem>>, vector<10240x128xf32>
    %get3A_2 = arith.constant 0 : index
    %get3A_3 = arith.constant 0 : index
    %get3A_4 = vector.load %arg1[%get3A_2, %get3A_3] : memref<128x128xf32, #tpu.memory_space<vmem>>, vector<128x128xf32>
    %dot_general3A = arith.constant dense<0.000000e+00> : vector<10240x128xf32>
    %dot_general3A_5 = tpu.matmul %get3A_1, %get3A_4, %dot_general3A {dimension_numbers = #tpu.dot_dimension_numbers<[1], [0], [0], [1], [0, 0, 1, 1], [], []>, precision = #tpu.contract_precision<fp32>, transpose_lhs_hint = false} : vector<10240x128xf32>, vector<128x128xf32>, vector<10240x128xf32> -> vector<10240x128xf32>
    %get3A_6 = arith.constant 0 : index
    %get3A_7 = arith.constant 0 : index
    %get3A_8 = vector.load %arg2[%get3A_6, %get3A_7] : memref<1x128xf32, #tpu.memory_space<vmem>>, vector<1x128xf32>
    %add3A = vector.broadcast %get3A_8 : vector<1x128xf32> to vector<10240x128xf32>
    %add3A_9 = arith.addf %dot_general3A_5, %add3A : vector<10240x128xf32>
    %gt3A = arith.constant 0.000000e+00 : f32
    %gt3A_10 = vector.broadcast %gt3A : f32 to vector<10240x128xf32>
    %gt3A_11 = arith.cmpf ogt, %add3A_9, %gt3A_10 : vector<10240x128xf32>
    %exp3A = math.exp %add3A_9 : vector<10240x128xf32>
    %sub3A = arith.constant 1.000000e+00 : f32
    %sub3A_12 = vector.broadcast %sub3A : f32 to vector<10240x128xf32>
    %sub3A_13 = arith.subf %exp3A, %sub3A_12 : vector<10240x128xf32>
    %select_n3A = arith.select %gt3A_11, %add3A_9, %sub3A_13 : vector<10240x128xi1>, vector<10240x128xf32>
    %iota3A = tpu.iota {dimensions = array<i32: 0>} : vector<10240x1xi32>
    %lt3A = arith.constant 10000 : i32
    %lt3A_14 = vector.broadcast %lt3A : i32 to vector<10240x1xi32>
    %lt3A_15 = arith.cmpi slt, %iota3A, %lt3A_14 : vector<10240x1xi32>
    %convert_element_type3A = arith.extui %lt3A_15 : vector<10240x1xi1> to vector<10240x1xi32>
    %convert_element_type3A_16 = arith.sitofp %convert_element_type3A : vector<10240x1xi32> to vector<10240x1xf32>
    %mul3A = vector.broadcast %convert_element_type3A_16 : vector<10240x1xf32> to vector<10240x128xf32>
    %mul3A_17 = arith.mulf %select_n3A, %mul3A : vector<10240x128xf32>
    %reduce_sum3A = arith.constant dense<0.000000e+00> : vector<128xf32>
    %reduce_sum3A_18 = vector.multi_reduction <add>, %mul3A_17, %reduce_sum3A [0] : vector<10240x128xf32> to vector<128xf32>
    %broadcast_in_dim3A = vector.shape_cast %reduce_sum3A_18 : vector<128xf32> to vector<1x128xf32>
    %mul3A_19 = arith.constant 9.99999974E-5 : f32
    %mul3A_20 = vector.broadcast %mul3A_19 : f32 to vector<1x128xf32>
    %mul3A_21 = arith.mulf %broadcast_in_dim3A, %mul3A_20 : vector<1x128xf32>
    %sub3A_22 = vector.broadcast %mul3A_21 : vector<1x128xf32> to vector<10240x128xf32>
    %sub3A_23 = arith.subf %select_n3A, %sub3A_22 : vector<10240x128xf32>
    %mul3A_24 = vector.broadcast %convert_element_type3A_16 : vector<10240x1xf32> to vector<10240x128xf32>
    %mul3A_25 = arith.mulf %sub3A_23, %mul3A_24 : vector<10240x128xf32>
    %mul3A_26 = arith.mulf %mul3A_25, %mul3A_25 : vector<10240x128xf32>
    %reduce_sum3A_27 = arith.constant dense<0.000000e+00> : vector<128xf32>
    %reduce_sum3A_28 = vector.multi_reduction <add>, %mul3A_26, %reduce_sum3A_27 [0] : vector<10240x128xf32> to vector<128xf32>
    %broadcast_in_dim3A_29 = vector.shape_cast %reduce_sum3A_28 : vector<128xf32> to vector<1x128xf32>
    %mul3A_30 = arith.constant 9.99999974E-5 : f32
    %mul3A_31 = vector.broadcast %mul3A_30 : f32 to vector<1x128xf32>
    %mul3A_32 = arith.mulf %broadcast_in_dim3A_29, %mul3A_31 : vector<1x128xf32>
    %get3A_33 = arith.constant 0 : index
    %get3A_34 = arith.constant 0 : index
    %get3A_35 = vector.load %arg3[%get3A_33, %get3A_34] : memref<1x128xf32, #tpu.memory_space<vmem>>, vector<1x128xf32>
    %add3A_36 = arith.constant 9.99999974E-6 : f32
    %add3A_37 = vector.broadcast %add3A_36 : f32 to vector<1x128xf32>
    %add3A_38 = arith.addf %mul3A_32, %add3A_37 : vector<1x128xf32>
    %rsqrt3A = math.rsqrt %add3A_38 : vector<1x128xf32>
    %mul3A_39 = arith.mulf %get3A_35, %rsqrt3A : vector<1x128xf32>
    %get3A_40 = arith.constant 0 : index
    %get3A_41 = arith.constant 0 : index
    %get3A_42 = vector.load %arg4[%get3A_40, %get3A_41] : memref<1x128xf32, #tpu.memory_space<vmem>>, vector<1x128xf32>
    %mul3A_43 = arith.mulf %mul3A_21, %mul3A_39 : vector<1x128xf32>
    %sub3A_44 = arith.subf %get3A_42, %mul3A_43 : vector<1x128xf32>
    %mul3A_45 = vector.broadcast %mul3A_39 : vector<1x128xf32> to vector<10240x128xf32>
    %mul3A_46 = arith.mulf %select_n3A, %mul3A_45 : vector<10240x128xf32>
    %add3A_47 = vector.broadcast %sub3A_44 : vector<1x128xf32> to vector<10240x128xf32>
    %add3A_48 = arith.addf %mul3A_46, %add3A_47 : vector<10240x128xf32>
    %convert_element_type3A_49 = arith.truncf %add3A_48 : vector<10240x128xf32> to vector<10240x128xbf16>
    %convert_element_type3A_50 = arith.extf %convert_element_type3A_49 : vector<10240x128xbf16> to vector<10240x128xf32>
    %get3A_51 = arith.constant 0 : index
    %get3A_52 = arith.constant 0 : index
    %get3A_53 = vector.load %arg6[%get3A_51, %get3A_52] : memref<128x128xf32, #tpu.memory_space<vmem>>, vector<128x128xf32>
    %dot_general3A_54 = arith.constant dense<0.000000e+00> : vector<10240x128xf32>
    %dot_general3A_55 = tpu.matmul %convert_element_type3A_50, %get3A_53, %dot_general3A_54 {dimension_numbers = #tpu.dot_dimension_numbers<[1], [0], [0], [1], [0, 0, 1, 1], [], []>, precision = #tpu.contract_precision<fp32>, transpose_lhs_hint = false} : vector<10240x128xf32>, vector<128x128xf32>, vector<10240x128xf32> -> vector<10240x128xf32>
    %get3A_56 = arith.constant 0 : index
    %get3A_57 = arith.constant 0 : index
    %get3A_58 = vector.load %arg5[%get3A_56, %get3A_57] : memref<10240x1xf32, #tpu.memory_space<vmem>>, vector<10240x1xf32>
    %mul3A_59 = vector.broadcast %get3A_58 : vector<10240x1xf32> to vector<10240x128xf32>
    %mul3A_60 = arith.mulf %dot_general3A_55, %mul3A_59 : vector<10240x128xf32>
    %mul3A_61 = vector.broadcast %convert_element_type3A_16 : vector<10240x1xf32> to vector<10240x128xf32>
    %mul3A_62 = arith.mulf %mul3A_60, %mul3A_61 : vector<10240x128xf32>
    %swap3A = arith.constant 0 : index
    %swap3A_63 = arith.constant 0 : index
    %swap3A_64 = vector.load %arg7[%swap3A, %swap3A_63] : memref<10240x128xf32, #tpu.memory_space<vmem>>, vector<10240x128xf32>
    tpu.vector_store %arg7[%swap3A, %swap3A_63], %mul3A_62 {strides = array<i32>} : memref<10240x128xf32, #tpu.memory_space<vmem>>, vector<10240x128xf32>,
    return
  }
}

module attributes {stable_mosaic.version = 14 : i64} {
  func.func @_s2_body(%arg0: memref<20480x128xf32, #tpu.memory_space<vmem>>, %arg1: memref<10240x128xf32, #tpu.memory_space<vmem>>, %arg2: memref<10240x1xf32, #tpu.memory_space<vmem>>, %arg3: memref<10240x128xf32, #tpu.memory_space<vmem>>, %arg4: memref<1x128xf32, #tpu.memory_space<vmem>>, %arg5: memref<128x1xf32, #tpu.memory_space<vmem>>, %arg6: memref<1x1xf32, #tpu.memory_space<vmem>>, %arg7: memref<10240x128xf32, #tpu.memory_space<vmem>>, %arg8: memref<10240x1xf32, #tpu.memory_space<vmem>>) attributes {dimension_semantics = [], scalar_prefetch = 0 : i64, scratch_operands = 0 : i64, tpu.core_type = #tpu.core_type<tc>} {
    %get3A = arith.constant 0 : index
    %get3A_0 = arith.constant 0 : index
    %get3A_1 = vector.load %arg0[%get3A, %get3A_0] : memref<20480x128xf32, #tpu.memory_space<vmem>>, vector<10240x128xf32>
    %get3A_2 = arith.constant 10240 : index
    %get3A_3 = arith.constant 0 : index
    %get3A_4 = vector.load %arg0[%get3A_2, %get3A_3] : memref<20480x128xf32, #tpu.memory_space<vmem>>, vector<10240x128xf32>
    %add3A = arith.addf %get3A_1, %get3A_4 : vector<10240x128xf32>
    %get3A_5 = arith.constant 0 : index
    %get3A_6 = arith.constant 0 : index
    %get3A_7 = vector.load %arg1[%get3A_5, %get3A_6] : memref<10240x128xf32, #tpu.memory_space<vmem>>, vector<10240x128xf32>
    %add3A_8 = arith.addf %add3A, %get3A_7 : vector<10240x128xf32>
    %get3A_9 = arith.constant 0 : index
    %get3A_10 = arith.constant 0 : index
    %get3A_11 = vector.load %arg2[%get3A_9, %get3A_10] : memref<10240x1xf32, #tpu.memory_space<vmem>>, vector<10240x1xf32>
    %mul3A = vector.broadcast %get3A_11 : vector<10240x1xf32> to vector<10240x128xf32>
    %mul3A_12 = arith.mulf %add3A_8, %mul3A : vector<10240x128xf32>
    %get3A_13 = arith.constant 0 : index
    %get3A_14 = arith.constant 0 : index
    %get3A_15 = vector.load %arg4[%get3A_13, %get3A_14] : memref<1x128xf32, #tpu.memory_space<vmem>>, vector<1x128xf32>
    %add3A_16 = vector.broadcast %get3A_15 : vector<1x128xf32> to vector<10240x128xf32>
    %add3A_17 = arith.addf %mul3A_12, %add3A_16 : vector<10240x128xf32>
    %get3A_18 = arith.constant 0 : index
    %get3A_19 = arith.constant 0 : index
    %get3A_20 = vector.load %arg6[%get3A_18, %get3A_19] : memref<1x1xf32, #tpu.memory_space<vmem>>, vector<1x1xf32>
    %get3A_21 = vector.extract %get3A_20[0, 0] : f32 from vector<1x1xf32>
    %get3A_22 = arith.constant 0 : index
    %get3A_23 = arith.constant 0 : index
    %get3A_24 = vector.load %arg3[%get3A_22, %get3A_23] : memref<10240x128xf32, #tpu.memory_space<vmem>>, vector<10240x128xf32>
    %sub3A = arith.subf %add3A_17, %get3A_24 : vector<10240x128xf32>
    %mul3A_25 = vector.broadcast %get3A_21 : f32 to vector<10240x128xf32>
    %mul3A_26 = arith.mulf %sub3A, %mul3A_25 : vector<10240x128xf32>
    %add3A_27 = arith.addf %get3A_24, %mul3A_26 : vector<10240x128xf32>
    %ge3A = arith.constant 5.000000e-03 : f32
    %ge3A_28 = vector.broadcast %ge3A : f32 to vector<10240x128xf32>
    %ge3A_29 = arith.cmpf oge, %add3A_27, %ge3A_28 : vector<10240x128xf32>
    %convert_element_type3A = arith.extui %ge3A_29 : vector<10240x128xi1> to vector<10240x128xi32>
    %convert_element_type3A_30 = arith.sitofp %convert_element_type3A : vector<10240x128xi32> to vector<10240x128xf32>
    %sub3A_31 = arith.constant 1.000000e+00 : f32
    %sub3A_32 = vector.broadcast %sub3A_31 : f32 to vector<10240x128xf32>
    %sub3A_33 = arith.subf %sub3A_32, %convert_element_type3A_30 : vector<10240x128xf32>
    %mul3A_34 = arith.mulf %add3A_27, %sub3A_33 : vector<10240x128xf32>
    %swap3A = arith.constant 0 : index
    %swap3A_35 = arith.constant 0 : index
    %swap3A_36 = vector.load %arg7[%swap3A, %swap3A_35] : memref<10240x128xf32, #tpu.memory_space<vmem>>, vector<10240x128xf32>
    tpu.vector_store %arg7[%swap3A, %swap3A_35], %mul3A_34 {strides = array<i32>} : memref<10240x128xf32, #tpu.memory_space<vmem>>, vector<10240x128xf32>,
    %get3A_37 = arith.constant 0 : index
    %get3A_38 = arith.constant 0 : index
    %get3A_39 = vector.load %arg5[%get3A_37, %get3A_38] : memref<128x1xf32, #tpu.memory_space<vmem>>, vector<128x1xf32>
    %dot_general3A = arith.constant dense<0.000000e+00> : vector<10240x1xf32>
    %dot_general3A_40 = tpu.matmul %convert_element_type3A_30, %get3A_39, %dot_general3A {dimension_numbers = #tpu.dot_dimension_numbers<[1], [0], [0], [1], [0, 0, 1, 1], [], []>, precision = #tpu.contract_precision<fp32>, transpose_lhs_hint = false} : vector<10240x128xf32>, vector<128x1xf32>, vector<10240x1xf32> -> vector<10240x1xf32>
    %swap3A_41 = arith.constant 0 : index
    %swap3A_42 = arith.constant 0 : index
    %swap3A_43 = vector.load %arg8[%swap3A_41, %swap3A_42] : memref<10240x1xf32, #tpu.memory_space<vmem>>, vector<10240x1xf32>
    tpu.vector_store %arg8[%swap3A_41, %swap3A_42], %dot_general3A_40 {strides = array<i32>} : memref<10240x1xf32, #tpu.memory_space<vmem>>, vector<10240x1xf32>,
    return
  }
}

</mosaic_0001>

<sc_bundles>
// kernel: closed_call.17.cloned.1.call-start
scs
__scs_entry_jumppad:
0x0: {  	(pc) =	sbr.rel $0x88, $3  }
0x1: {  	(tag) =	ssettag $0x0;
	lr =	simm.s32 $0x1  }
0x2: {  	[smem:$0x3F95] =	sst lr;
	_ =	strace $0xD0000000  }
0x3: {  	_ = 	snop  }
0x4: {  	_ = 	snop  }
0x5: {  	_ = 	snop  }
0x6: {  	_ = 	snop  }
0x7: {  	_ = 	snop  }
__scs_overlays_trampoline_lowered:
0x8: {  	[smem:$0x3FA4] =	sst s0  }
0x9: {  	[smem:$0x3FA5] =	sst s1  }
0xa: {  	[smem:$0x3FA6] =	sst s2  }
0xb: {  	[smem:$0x3FA7] =	sst s3  }
0xc: {  	[smem:$0x3FA8] =	sst s4  }
0xd: {  	[smem:$0x3FA9] =	sst s5  }
0xe: {  	[smem:$0x3FAA] =	sst s6  }
0xf: {  	[smem:$0x3FAB] =	sst s7  }
0x10: {  	[smem:$0x3FAC] =	sst s8  }
0x11: {  	[smem:$0x3FAD] =	sst s9;
	s0 =	simm.s32 @!p0 $0x0  }
0x12: {  	s1 =	sld [smem:$0x3F93];
	s0 =	simm.s32 @p0 $0x1  }
0x13: {  	[smem:$0x3FAE] =	sst s0;
	s0 =	simm.s32 @!p1 $0x0  }
0x14: {  	s2 =	sld [smem:$0x3F92];
	s0 =	simm.s32 @p1 $0x1  }
0x15: {  	[smem:$0x3FAF] =	sst s0;
	s0 =	simm.s32 @!p2 $0x0  }
0x16: {  	s3 =	sld [smem:$0x3FDB];
	s0 =	simm.s32 @p2 $0x1  }
0x17: {  	s4 =	simm.s32 $0x1BF5;
	[smem:$0x3FB1] =	sst s0  }
0x18: {  	s0 =	sld [smem:$0x3F94];
	_ =	swait.ge [sflag:s4], $0x0  }
0x19: {  	s7 =	sld [smem:$0x3F95]  }
0x1a: {  	s8 =	sadd.s32 $0xFFFFE003, lr  }
0x1b: {  	s9 =	sadd.s32 $0xFFFFFEF7, lr;
	s5 =	simm.s32 $0xFFFFFFFF;
	p2 =	slt.u32 s8, $0xFFFFF086  }
0x1c: {  	p1 =	slt.u32 s9, $0xF7A;
	s5 =	simm.s32 @!p2 $0x0  }
0x1d: {  	s5 =	simm.s32 @p1 $0x1;
	p0 =	seq.s32 s7, s2  }
0x1e: {  	s7 =	smul.u32 @!p0 $0xF7A, s2;
	p2 =	seq.s32 @!p0 s5, $0x0  }
0x1f: {  	s9 =	smul.u32 $0xF7A, s1;
	s8 =	simm.s32 @!p0 $0x1BF5;
	p2 =	por !p2, p0  }
0x20: {  	[sflag:s8] =	ssyncset.s32 @!p0 $0xFFFFF086;
	s6 =	sadd.s32 @!p0 s3, s7;
	s7 =	simm.s32 @!p0 $0x108  }
0x21: {  	s3 =	sadd.s32 s3, s9;
	s6 =	sadd.s32 @!p0 $0x88, s6;
	s7 =	simm.s32 @p2 $0x1082  }
0x22: {  	[simem:s7], [sflag:s8] =	dma.local @!p0 [hbm:s6], $0xF7A  }
0x23: {  	s9 =	sor.u32 $0xD0000000, s2;
	s6 =	simm.s32 $0x108;
	_ =	swait.ge @!p0 [sflag:s8], $0x0  }
0x24: {  	s3 =	sadd.s32 $0x88, s3;
	s6 =	simm.s32 @!p1 $0x1082;
	[sflag:s4] =	ssyncset.s32 $0xFFFFF086  }
0x25: {  	[simem:s6], [sflag:s4] =	dma.local [hbm:s3], $0xF7A  }
0x26: {  	[smem:$0x3F95] =	sst s1;
	(tag) =	ssettag s2;
	_ =	strace s9  }
0x27: {  	s1 =	sld [smem:$0x3FA5]  }
0x28: {  	s2 =	sld [smem:$0x3FA6]  }
0x29: {  	s4 =	sld [smem:$0x3FA8]  }
0x2a: {  	p0 =	seq.s32 s5, $0x0;
	s5 =	sld [smem:$0x3FA9]  }
0x2b: {  	s6 =	sld [smem:$0x3FAA]  }
0x2c: {  	s7 =	sld [smem:$0x3FAB]  }
0x2d: {  	s3 =	simm.s32 $0x108;
	s8 =	sld [smem:$0x3FAC]  }
0x2e: {  	s3 =	simm.s32 @!p0 $0x1082;
	s9 =	sld [smem:$0x3FAD]  }
0x2f: {  	lr =	sadd.s32 s0, s3;
	s0 =	sld [smem:$0x3FA4]  }
0x30: {  	s3 =	sld [smem:$0x3FA7]  }
0x31: {  	[smem:$0x3FB0] =	sst s10  }
0x32: {  	s10 =	sld [smem:$0x3FAE];
	_ =	sdelay $0x3  }
0x33: {  	p0 =	seq.s32 s10, $0x1;
	s10 =	sld [smem:$0x3FB0];
	_ =	sdelay $0x3  }
0x34: {  	[smem:$0x3FB0] =	sst s10  }
0x35: {  	s10 =	sld [smem:$0x3FAF];
	_ =	sdelay $0x3  }
0x36: {  	p1 =	seq.s32 s10, $0x1;
	s10 =	sld [smem:$0x3FB0];
	_ =	sdelay $0x3  }
0x37: {  	[smem:$0x3FB0] =	sst s10  }
0x38: {  	s10 =	sld [smem:$0x3FB1]  }
0x39: {  	_ = 	snop;
	(pc) =	sbr.ind lr, $3  }
0x3a: {  	_ = 	snop  }
0x3b: {  	_ = 	snop  }
0x3c: {  	p2 =	seq.s32 s10, $0x1;
	s10 =	sld [smem:$0x3FB0]  }
0x3d: {  	_ =	shalt  }
0x3e: {  	_ =	shalt  }
0x3f: {  	_ =	shalt  }
0x40: {  	_ =	shalt  }
0x41: {  	_ =	shalt  }
0x42: {  	_ =	shalt  }
0x43: {  	_ =	shalt  }
0x44: {  	_ =	shalt  }
0x45: {  	_ =	shalt  }
0x46: {  	_ =	shalt  }
0x47: {  	_ =	shalt  }
0x48: {  	_ =	shalt  }
0x49: {  	_ =	shalt  }
0x4a: {  	_ =	shalt  }
0x4b: {  	_ =	shalt  }
0x4c: {  	_ =	shalt  }
0x4d: {  	_ =	shalt  }
0x4e: {  	_ =	shalt  }
0x4f: {  	_ =	shalt  }
0x50: {  	_ =	shalt  }
0x51: {  	_ =	shalt  }
0x52: {  	_ =	shalt  }
0x53: {  	_ =	shalt  }
0x54: {  	_ =	shalt  }
0x55: {  	_ =	shalt  }
0x56: {  	_ =	shalt  }
0x57: {  	_ =	shalt  }
0x58: {  	_ =	shalt  }
0x59: {  	_ =	shalt  }
0x5a: {  	_ =	shalt  }
0x5b: {  	_ =	shalt  }
0x5c: {  	_ =	shalt  }
0x5d: {  	_ =	shalt  }
0x5e: {  	_ =	shalt  }
0x5f: {  	_ =	shalt  }
0x60: {  	_ =	shalt  }
0x61: {  	_ =	shalt  }
0x62: {  	_ =	shalt  }
0x63: {  	_ =	shalt  }
0x64: {  	_ =	shalt  }
0x65: {  	_ =	shalt  }
0x66: {  	_ =	shalt  }
0x67: {  	_ =	shalt  }
0x68: {  	_ =	shalt  }
0x69: {  	_ =	shalt  }
0x6a: {  	_ =	shalt  }
0x6b: {  	_ =	shalt  }
0x6c: {  	_ =	shalt  }
0x6d: {  	_ =	shalt  }
0x6e: {  	_ =	shalt  }
0x6f: {  	_ =	shalt  }
0x70: {  	_ =	shalt  }
0x71: {  	_ =	shalt  }
0x72: {  	_ =	shalt  }
0x73: {  	_ =	shalt  }
0x74: {  	_ =	shalt  }
0x75: {  	_ =	shalt  }
0x76: {  	_ =	shalt  }
0x77: {  	_ =	shalt  }
0x78: {  	_ =	shalt  }
0x79: {  	_ =	shalt  }
0x7a: {  	_ =	shalt  }
0x7b: {  	_ =	shalt  }
0x7c: {  	_ =	shalt  }
0x7d: {  	_ =	shalt  }
0x7e: {  	_ =	shalt  }
0x7f: {  	_ =	shalt  }
0x80: {  	_ =	shalt  }
0x81: {  	_ =	shalt  }
0x82: {  	_ =	shalt  }
0x83: {  	_ =	shalt  }
0x84: {  	_ =	shalt  }
0x85: {  	_ =	shalt  }
0x86: {  	_ =	shalt  }
0x87: {  	_ =	shalt  }
.Lfunc_end0:
.L_simem_size_0:
called_computation_lowered:
.L_overlay_start_0:
0x88: {  	s2 =	sld [smem:$0x3FD9]  }
0x89: {  	s3 =	sld [smem:$0x3FFE];
	_ =	sdelay $0x1  }
0x8a: {  	s1 =	srdreg.scid  }
0x8b: {  	s0 =	sand.u32 $0x1, s1  }
0x8c: {  	s16 =	sshll.u32 s0, $0xA;
	s2 =	sadd.s32 s3, s2  }
0x8d: {  	s2 =	sadd.s32 s2, s16  }
0x8e: {  	[smem:$0x3FBC] =	sst s2  }
0x8f: {  	_ = 	snop  }
0x90: {  	(tm) =	ssettm $0x1  }
0x91: {  	s17 =	sld [smem:$0x3FFB];
	_ =	sdelay $0x3  }
0x92: {  	_ =	strace s17  }
0x93: {  	s2 =	sld [smem:$0x3FFC];
	_ =	sdelay $0x3  }
0x94: {  	_ =	strace s2  }
0x95: {  	s2 =	sld [smem:$0x3FFD];
	_ =	sdelay $0x3  }
0x96: {  	_ =	strace s2  }
0x97: {  	_ =	strace $0x8FFFFFFF  }
0x98: {  	s18 =	sld [smem:$0x3FDB];
	_ =	sdelay $0x1  }
0x99: {  	s19 =	simm.s32 $_scs_section_size  }
0x9a: {  	s4 =	simm.s32 $_size__tile_overlayer_lowered;
	s5 =	simm.s32 $_tile_overlayer_lowered  }
0x9b: {  	s22 =	simm.s32 $0x1BFF;
	s21 =	sshll.u32 s5, $0x1;
	s2 =	sadd.s32 s19, s18  }
0x9c: {  	s6 =	simm.s32 $0x0;
	s20 =	sshll.u32 s4, $0x1;
	s4 =	sadd.s32 s21, s2  }
0x9d: {  	[timem:s6], [sflag:s22] =	dma.local [hbm:s4], s20  }
0x9e: {  	_ =	swait.ge [sflag:s22], s20  }
0x9f: {  	s3 =	ssub.s32 $0x0, s20;
	[sflag:s22] =	ssyncset.done $0x0  }
0xa0: {  	[sflag:s22] =	ssyncadd.s32 s3;
	_ =	sdelay $0x1  }
0xa1: {  	s23 =	simm.s32 $0x1B8B  }
0xa2: {  	_ =	swait.ge [sflag:s23], $0x1  }
0xa3: {  	[sflag:s23] =	ssyncset.done $0x0  }
0xa4: {  	s25 =	simm.s32 $0x1B8E;
	s24 =	sld [smem:$0x3FFE];
	[sflag:s23] =	ssyncadd.s32 $0xFFFFFFFF  }
0xa5: {  	s26 =	simm.s32 $execute0_lowered;
	[smem:$0x3FD2] =	sst s25  }
0xa6: {  	s4 =	sshll.u32 s26, $0x1;
	_ =	strace $0x8000004C;
	[dreg:$0x1] =	wrdreg $0xFFFFFFFF  }
0xa7: {  	s28 =	simm.s32 $_size_execute0_lowered;
	s2 =	sadd.s32 s2, s4;
	[dreg:$0x0] =	wrdreg $0x0  }
0xa8: {  	s4 =	sshll.u32 s28, $0x1;
	[dreg:$0x2] =	wrdreg s2  }
0xa9: {  	[dreg:$0x3] =	wrdreg s4  }
0xaa: {  	[dreg:$0x4] =	wrdreg $0xC0  }
0xab: {  	_ =	task [dreg:s6], $0x5FFFF  }
0xac: {  	[dreg:$0x1] =	wrdreg $0xFFFFFFFF  }
0xad: {  	[dreg:$0x0] =	wrdreg $0x60  }
0xae: {  	[dreg:$0x2] =	wrdreg s24  }
0xaf: {  	[dreg:$0x3] =	wrdreg $0x0  }
0xb0: {  	[dreg:$0x4] =	wrdreg $0x9  }
0xb1: {  	_ =	task.clear_ibuf [dreg:s6], $0x5FFFF;
	_ =	strace $0x9000004C  }
0xb2: {  	s29 =	simm.s32 $0x9;
	_ =	strace $0x8000004E  }
0xb3: {  	_ =	swait.ge [sflag:s29], $0x1  }
0xb4: {  	[sflag:s29] =	ssyncadd.s32 $0xFFFFFFFF  }
0xb5: {  	_ =	strace $0x9000004E  }
0xb6: {  	_ =	sfence  }
0xb7: {  	s30 =	sld [smem:$0x0];
	_ =	sdelay $0x2  }
0xb8: {  	s31 =	sshll.u32 s1, $0xD;
	s1 =	sshrl.u32 s1, $0x2  }
0xb9: {  	s3 =	sand.u32 $0x4000, s31;
	s1 =	sadd.s32 s1, s30  }
0xba: {  	s0 =	sor.u32 s3, s0;
	s1 =	sshll.u32 s1, $0x11  }
0xbb: {  	s0 =	sor.u32 s1, s0  }
0xbc: {  	s0 =	sadd.s32 $0x8F2B, s0  }
0xbd: {  	[sflag:s0] =	ssyncadd.remote.s32 $0x1  }
0xbe: {  	_ =	sfence.sel $0xFFFF  }
0xbf: {  	[dreg:$0x0] =	wrdreg $0xFFFFFFFF;
	(pc) =	sbr.abs _section_cstart, $3  }
0xc0: {  	[dreg:$0x1] =	wrdreg $0xFFFFFFFF  }
0xc1: {  	_ =	task.clear_ibuf [dreg:s6], $0x2FFFF;
	_ =	strace $0x9FFFFFFF  }
0xc2: {  	(tm) =	ssettm $0x7FFFFFFF  }
0xc3: {  	_ =	shalt  }
tec
execute0_lowered:
.L_overlay_start_1:
0x0: {  	(tag) =	ssettag $0x1  }
0x1: {  	s0 =	rddreg [dreg:$0x0]  }
0x2: {  	s1 =	rddreg [dreg:$0x1];
	s2 =	simm.s32 $0x0  }
0x3: {  	s3 =	srdreg.scid;
	s10 =	stileid.u32;
	s11 =	simm.s32 $0x3  }
0x4: {  	s12 =	simm.s32 $0x14000;
	s13 =	simm.s32 $0x14400;
	s14 =	simm.s32 $0x80  }
0x5: {  	s15 =	simm.s32 $0x14800;
	s16 =	simm.s32 $0x14080;
	s17 =	simm.s32 $0x18800  }
0x6: {  	s18 =	simm.s32 $0x1;
	s19 =	simm.s32 $0x14100;
	s20 =	simm.s32 $0x2  }
0x7: {  	s21 =	simm.s32 $0x14480;
	s28 =	simm.s32 $0x14600;
	s29 =	simm.s32 $0x14300  }
0x8: {  	s30 =	simm.s32 $0x14680;
	s31 =	simm.s32 $0x14380;
	s6 =	smul.u32 $0x2800, s10  }
0x9: {  	[smem:$0x7FF] =	sst s2;
	s3 =	sand.u32 $0x1, s3;
	s22 =	smul.u32 $0x50000, s10  }
0xa: {  	s4 =	sadd.s32 $0x16200, s0;
	s8 =	sadd.s32 $0x9B000, s0;
	s9 =	smul.u32 $0x500, s10  }
0xb: {  	s25 =	sshll.u32 s10, $0x6;
	s5 =	smul.u32 $0x5000, s3;
	_ =	strace $0x8000004D  }
0xc: {  	s7 =	smul.u32 $0x28000, s3;
	[dreg:$0x4] =	wrdreg s8;
	s3 =	ssub.s32 $0x2, s3  }
0xd: {  	s8 =	simm.s32 $0x0;
	s23 =	sshrl.u32 s3, $0x1;
	s24 =	sshrl.u32 s22, $0x2  }
0xe: {  	s22 =	simm.s32 $0x14180;
	s5 =	sadd.s32 s5, s0;
	s6 =	sadd.s32 s6, s7  }
0xf: {  	s3 =	ssub.s32 s3, s23;
	s7 =	sor.u32 $0x1C03, s25;
	s23 =	simm.s32 $0x14500  }
0x10: {  	s25 =	simm.s32 $0x14580;
	s0 =	sadd.s32 s6, s0;
	s6 =	sadd.s32 s24, s1  }
0x11: {  	s5 =	sadd.s32 s9, s5;
	s3 =	smax.u32 s3, $0x1;
	[dreg:$0x5] =	wrdreg s7  }
0x12: {  	s24 =	simm.s32 $0x14200;
	s0 =	sadd.s32 $0x108600, s0;
	[dreg:$0x7] =	wrdreg s3  }
0x13: {  	s26 =	sadd.s32 $0xBA00, s5;
	s9 =	sadd.s32 $0x1A00, s5;
	[dreg:$0x6] =	wrdreg s0  }
0x14: {  	s6 =	sshrl.u32 s6, $0x3;
	s3 =	simm.s32 $0x14780;
	[dreg:$0x3] =	wrdreg s26  }
0x15: {  	s26 =	simm.s32 $0x14280;
	s0 =	simm.s32 $0x14700;
	[dreg:$0x8] =	wrdreg s6  }
.LBB2_1:
0x16: {  	[dreg:$0x9] =	wrdreg s8  }
0x17: {  	s5 =	rddreg [dreg:$0x4]  }
0x18: {  	[spmem:s6], [sflag:s7] =	dma.local [hbm:s5], $0x2800  }
0x19: {  	_ =	swait.ge [sflag:s11], $0x2800  }
0x1a: {  	[sflag:s11] =	ssyncset.done $0x0  }
0x1b: {  	[sflag:s11] =	ssyncadd.s32 $0xFFFFD800  }
0x1c: {  	s8 =	sadd.s32 $0x0, s9;
	[bflag:$0x0] =	sbarrier.arrive $0xFFFF  }
0x1d: {  	[tilespmem:s12], [sflag:$0x3] =	stream.linear.gather [hbm4b:s8+s2], $0x400, $0x38;
	[tilespmem:$0x1C800] =	vst v63  }
0x1e: {  	_ =	swait.ge [sflag:s11], $0x400  }
0x1f: {  	s10 =	rddreg [dreg:$0x3];
	[sflag:s11] =	ssyncset.done $0x0  }
0x20: {  	[sflag:s11] =	ssyncadd.s32 $0xFFFFFC00;
	s6 =	sadd.s32 $0x0, s10  }
0x21: {  	[tilespmem:s13], [sflag:$0x3] =	stream.linear.gather [hbm4b:s6+s2], $0x400, $0x38;
	[tilespmem:$0x1C800] =	vst v63  }
0x22: {  	_ =	swait.ge [sflag:s11], $0x400  }
0x23: {  	[sflag:s11] =	ssyncset.done $0x0  }
0x24: {  	[sflag:s11] =	ssyncadd.s32 $0xFFFFFC00  }
0x25: {  	[tilespmem:s15], [sflag:$0x1] =	stream.indirect.gather [hbm4b:s4+s14], $0x80, s12, s14, $0xb8;
	[tilespmem:$0x1C800] =	vst v63  }
0x26: {  	_ = 	snop  }
0x27: {  	[tilespmem:s17], [sflag:$0x2] =	stream.indirect.gather [hbm4b:s4+s14], $0x80, s16, s14, $0xb8;
	[tilespmem:$0x1C800] =	vst v63  }
0x28: {  	_ =	swait.ge [sflag:s18], $0x4000  }
0x29: {  	[sflag:s18] =	ssyncset.done $0x0  }
0x2a: {  	[sflag:s18] =	ssyncadd.s32 $0xFFFFC000  }
0x2b: {  	[spmem:s1] =	stream.indirect.scatter.add.f32 [tilespmem:s15], [sflag:$0x3], $0x80, s13, s14, $0xb8;
	[tilespmem:$0x1C800] =	vst v63  }
0x2c: {  	_ =	swait.ge [sflag:s11], $0x4000  }
0x2d: {  	[sflag:s11] =	ssyncset.done $0x0  }
0x2e: {  	[sflag:s11] =	ssyncadd.s32 $0xFFFFC000  }
0x2f: {  	[tilespmem:s15], [sflag:$0x1] =	stream.indirect.gather [hbm4b:s4+s14], $0x80, s19, s14, $0xb8;
	[tilespmem:$0x1C800] =	vst v63  }
0x30: {  	_ =	swait.ge [sflag:s20], $0x4000  }
0x31: {  	[sflag:s20] =	ssyncset.done $0x0  }
0x32: {  	[sflag:s20] =	ssyncadd.s32 $0xFFFFC000  }
0x33: {  	[spmem:s1] =	stream.indirect.scatter.add.f32 [tilespmem:s17], [sflag:$0x3], $0x80, s21, s14, $0xb8;
	[tilespmem:$0x1C800] =	vst v63  }
0x34: {  	_ =	swait.ge [sflag:s11], $0x4000  }
0x35: {  	[sflag:s11] =	ssyncset.done $0x0  }
0x36: {  	[sflag:s11] =	ssyncadd.s32 $0xFFFFC000  }
0x37: {  	[tilespmem:s17], [sflag:$0x2] =	stream.indirect.gather [hbm4b:s4+s14], $0x80, s22, s14, $0xb8;
	[tilespmem:$0x1C800] =	vst v63  }
0x38: {  	_ =	swait.ge [sflag:s18], $0x4000  }
0x39: {  	[sflag:s18] =	ssyncset.done $0x0  }
0x3a: {  	[sflag:s18] =	ssyncadd.s32 $0xFFFFC000  }
0x3b: {  	[spmem:s1] =	stream.indirect.scatter.add.f32 [tilespmem:s15], [sflag:$0x3], $0x80, s23, s14, $0xb8;
	[tilespmem:$0x1C800] =	vst v63  }
0x3c: {  	_ =	swait.ge [sflag:s11], $0x4000  }
0x3d: {  	[sflag:s11] =	ssyncset.done $0x0  }
0x3e: {  	[sflag:s11] =	ssyncadd.s32 $0xFFFFC000  }
0x3f: {  	[tilespmem:s15], [sflag:$0x1] =	stream.indirect.gather [hbm4b:s4+s14], $0x80, s24, s14, $0xb8;
	[tilespmem:$0x1C800] =	vst v63  }
0x40: {  	_ =	swait.ge [sflag:s20], $0x4000  }
0x41: {  	[sflag:s20] =	ssyncset.done $0x0  }
0x42: {  	[sflag:s20] =	ssyncadd.s32 $0xFFFFC000  }
0x43: {  	[spmem:s1] =	stream.indirect.scatter.add.f32 [tilespmem:s17], [sflag:$0x3], $0x80, s25, s14, $0xb8;
	[tilespmem:$0x1C800] =	vst v63  }
0x44: {  	_ =	swait.ge [sflag:s11], $0x4000  }
0x45: {  	[sflag:s11] =	ssyncset.done $0x0  }
0x46: {  	[sflag:s11] =	ssyncadd.s32 $0xFFFFC000  }
0x47: {  	[tilespmem:s17], [sflag:$0x2] =	stream.indirect.gather [hbm4b:s4+s14], $0x80, s26, s14, $0xb8;
	[tilespmem:$0x1C800] =	vst v63  }
0x48: {  	_ =	swait.ge [sflag:s18], $0x4000  }
0x49: {  	[sflag:s18] =	ssyncset.done $0x0  }
0x4a: {  	[sflag:s18] =	ssyncadd.s32 $0xFFFFC000  }
0x4b: {  	[spmem:s1] =	stream.indirect.scatter.add.f32 [tilespmem:s15], [sflag:$0x3], $0x80, s28, s14, $0xb8;
	[tilespmem:$0x1C800] =	vst v63  }
0x4c: {  	_ =	swait.ge [sflag:s11], $0x4000  }
0x4d: {  	[sflag:s11] =	ssyncset.done $0x0  }
0x4e: {  	[sflag:s11] =	ssyncadd.s32 $0xFFFFC000  }
0x4f: {  	[tilespmem:s15], [sflag:$0x1] =	stream.indirect.gather [hbm4b:s4+s14], $0x80, s29, s14, $0xb8;
	[tilespmem:$0x1C800] =	vst v63  }
0x50: {  	_ =	swait.ge [sflag:s20], $0x4000  }
0x51: {  	[sflag:s20] =	ssyncset.done $0x0  }
0x52: {  	[sflag:s20] =	ssyncadd.s32 $0xFFFFC000  }
0x53: {  	[spmem:s1] =	stream.indirect.scatter.add.f32 [tilespmem:s17], [sflag:$0x3], $0x80, s30, s14, $0xb8;
	[tilespmem:$0x1C800] =	vst v63  }
0x54: {  	_ =	swait.ge [sflag:s11], $0x4000  }
0x55: {  	[sflag:s11] =	ssyncset.done $0x0  }
0x56: {  	[sflag:s11] =	ssyncadd.s32 $0xFFFFC000  }
0x57: {  	[tilespmem:s17], [sflag:$0x2] =	stream.indirect.gather [hbm4b:s4+s14], $0x80, s31, s14, $0xb8;
	[tilespmem:$0x1C800] =	vst v63  }
0x58: {  	_ =	swait.ge [sflag:s18], $0x4000  }
0x59: {  	[sflag:s18] =	ssyncset.done $0x0  }
0x5a: {  	[sflag:s18] =	ssyncadd.s32 $0xFFFFC000  }
0x5b: {  	[spmem:s1] =	stream.indirect.scatter.add.f32 [tilespmem:s15], [sflag:$0x3], $0x80, s0, s14, $0xb8;
	[tilespmem:$0x1C800] =	vst v63  }
0x5c: {  	_ =	swait.ge [sflag:s11], $0x4000  }
0x5d: {  	[sflag:s11] =	ssyncset.done $0x0  }
0x5e: {  	[sflag:s11] =	ssyncadd.s32 $0xFFFFC000  }
0x5f: {  	_ =	swait.ge [sflag:s20], $0x4000  }
0x60: {  	[sflag:s20] =	ssyncset.done $0x0  }
0x61: {  	[sflag:s20] =	ssyncadd.s32 $0xFFFFC000  }
0x62: {  	[spmem:s1] =	stream.indirect.scatter.add.f32 [tilespmem:s17], [sflag:$0x3], $0x80, s3, s14, $0xb8;
	[tilespmem:$0x1C800] =	vst v63  }
0x63: {  	_ =	swait.ge [sflag:s11], $0x4000  }
0x64: {  	s7 =	simm.s32 $0x80;
	s8 =	simm.s32 $0x100;
	[sflag:s11] =	ssyncset.done $0x0  }
.LBB2_2:
0x65: {  	s10 =	sadd.s32 s7, s9;
	[sflag:s11] =	ssyncadd.s32 $0xFFFFC000  }
0x66: {  	[tilespmem:s12], [sflag:$0x3] =	stream.linear.gather [hbm4b:s10+s2], $0x400, $0x38;
	[tilespmem:$0x1C800] =	vst v63  }
0x67: {  	s5 =	smov.u32 s8;
	_ =	swait.ge [sflag:s11], $0x400  }
0x68: {  	s6 =	sadd.s32 $0x80, s8;
	s10 =	rddreg [dreg:$0x3];
	[sflag:s11] =	ssyncset.done $0x0  }
0x69: {  	p0 =	sne.s32 s8, $0x480;
	[sflag:s11] =	ssyncadd.s32 $0xFFFFFC00;
	s8 =	sadd.s32 s7, s10  }
0x6a: {  	[tilespmem:s13], [sflag:$0x3] =	stream.linear.gather [hbm4b:s8+s2], $0x400, $0x38;
	[tilespmem:$0x1C800] =	vst v63  }
0x6b: {  	_ =	swait.ge [sflag:s11], $0x400  }
0x6c: {  	[sflag:s11] =	ssyncset.done $0x0  }
0x6d: {  	[sflag:s11] =	ssyncadd.s32 $0xFFFFFC00  }
0x6e: {  	[tilespmem:s15], [sflag:$0x1] =	stream.indirect.gather [hbm4b:s4+s14], $0x80, s12, s14, $0xb8;
	[tilespmem:$0x1C800] =	vst v63  }
0x6f: {  	_ = 	snop  }
0x70: {  	[tilespmem:s17], [sflag:$0x2] =	stream.indirect.gather [hbm4b:s4+s14], $0x80, s16, s14, $0xb8;
	[tilespmem:$0x1C800] =	vst v63  }
0x71: {  	_ =	swait.ge [sflag:s18], $0x4000  }
0x72: {  	[sflag:s18] =	ssyncset.done $0x0  }
0x73: {  	[sflag:s18] =	ssyncadd.s32 $0xFFFFC000  }
0x74: {  	[spmem:s1] =	stream.indirect.scatter.add.f32 [tilespmem:s15], [sflag:$0x3], $0x80, s13, s14, $0xb8;
	[tilespmem:$0x1C800] =	vst v63  }
0x75: {  	_ =	swait.ge [sflag:s11], $0x4000  }
0x76: {  	[sflag:s11] =	ssyncset.done $0x0  }
0x77: {  	[sflag:s11] =	ssyncadd.s32 $0xFFFFC000  }
0x78: {  	[tilespmem:s15], [sflag:$0x1] =	stream.indirect.gather [hbm4b:s4+s14], $0x80, s19, s14, $0xb8;
	[tilespmem:$0x1C800] =	vst v63  }
0x79: {  	_ =	swait.ge [sflag:s20], $0x4000  }
0x7a: {  	[sflag:s20] =	ssyncset.done $0x0  }
0x7b: {  	[sflag:s20] =	ssyncadd.s32 $0xFFFFC000  }
0x7c: {  	[spmem:s1] =	stream.indirect.scatter.add.f32 [tilespmem:s17], [sflag:$0x3], $0x80, s21, s14, $0xb8;
	[tilespmem:$0x1C800] =	vst v63  }
0x7d: {  	_ =	swait.ge [sflag:s11], $0x4000  }
0x7e: {  	[sflag:s11] =	ssyncset.done $0x0  }
0x7f: {  	[sflag:s11] =	ssyncadd.s32 $0xFFFFC000  }
0x80: {  	[tilespmem:s17], [sflag:$0x2] =	stream.indirect.gather [hbm4b:s4+s14], $0x80, s22, s14, $0xb8;
	[tilespmem:$0x1C800] =	vst v63  }
0x81: {  	_ =	swait.ge [sflag:s18], $0x4000  }
0x82: {  	[sflag:s18] =	ssyncset.done $0x0  }
0x83: {  	[sflag:s18] =	ssyncadd.s32 $0xFFFFC000  }
0x84: {  	[spmem:s1] =	stream.indirect.scatter.add.f32 [tilespmem:s15], [sflag:$0x3], $0x80, s23, s14, $0xb8;
	[tilespmem:$0x1C800] =	vst v63  }
0x85: {  	_ =	swait.ge [sflag:s11], $0x4000  }
0x86: {  	[sflag:s11] =	ssyncset.done $0x0  }
0x87: {  	[sflag:s11] =	ssyncadd.s32 $0xFFFFC000  }
0x88: {  	[tilespmem:s15], [sflag:$0x1] =	stream.indirect.gather [hbm4b:s4+s14], $0x80, s24, s14, $0xb8;
	[tilespmem:$0x1C800] =	vst v63  }
0x89: {  	_ =	swait.ge [sflag:s20], $0x4000  }
0x8a: {  	[sflag:s20] =	ssyncset.done $0x0  }
0x8b: {  	[sflag:s20] =	ssyncadd.s32 $0xFFFFC000  }
0x8c: {  	[spmem:s1] =	stream.indirect.scatter.add.f32 [tilespmem:s17], [sflag:$0x3], $0x80, s25, s14, $0xb8;
	[tilespmem:$0x1C800] =	vst v63  }
0x8d: {  	_ =	swait.ge [sflag:s11], $0x4000  }
0x8e: {  	[sflag:s11] =	ssyncset.done $0x0  }
0x8f: {  	[sflag:s11] =	ssyncadd.s32 $0xFFFFC000  }
0x90: {  	[tilespmem:s17], [sflag:$0x2] =	stream.indirect.gather [hbm4b:s4+s14], $0x80, s26, s14, $0xb8;
	[tilespmem:$0x1C800] =	vst v63  }
0x91: {  	_ =	swait.ge [sflag:s18], $0x4000  }
0x92: {  	[sflag:s18] =	ssyncset.done $0x0  }
0x93: {  	[sflag:s18] =	ssyncadd.s32 $0xFFFFC000  }
0x94: {  	[spmem:s1] =	stream.indirect.scatter.add.f32 [tilespmem:s15], [sflag:$0x3], $0x80, s28, s14, $0xb8;
	[tilespmem:$0x1C800] =	vst v63  }
0x95: {  	_ =	swait.ge [sflag:s11], $0x4000  }
0x96: {  	[sflag:s11] =	ssyncset.done $0x0  }
0x97: {  	[sflag:s11] =	ssyncadd.s32 $0xFFFFC000  }
0x98: {  	[tilespmem:s15], [sflag:$0x1] =	stream.indirect.gather [hbm4b:s4+s14], $0x80, s29, s14, $0xb8;
	[tilespmem:$0x1C800] =	vst v63  }
0x99: {  	_ =	swait.ge [sflag:s20], $0x4000  }
0x9a: {  	[sflag:s20] =	ssyncset.done $0x0  }
0x9b: {  	[sflag:s20] =	ssyncadd.s32 $0xFFFFC000  }
0x9c: {  	[spmem:s1] =	stream.indirect.scatter.add.f32 [tilespmem:s17], [sflag:$0x3], $0x80, s30, s14, $0xb8;
	[tilespmem:$0x1C800] =	vst v63  }
0x9d: {  	_ =	swait.ge [sflag:s11], $0x4000  }
0x9e: {  	[sflag:s11] =	ssyncset.done $0x0  }
0x9f: {  	[sflag:s11] =	ssyncadd.s32 $0xFFFFC000  }
0xa0: {  	[tilespmem:s17], [sflag:$0x2] =	stream.indirect.gather [hbm4b:s4+s14], $0x80, s31, s14, $0xb8;
	[tilespmem:$0x1C800] =	vst v63  }
0xa1: {  	_ =	swait.ge [sflag:s18], $0x4000  }
0xa2: {  	[sflag:s18] =	ssyncset.done $0x0  }
0xa3: {  	[sflag:s18] =	ssyncadd.s32 $0xFFFFC000  }
0xa4: {  	[spmem:s1] =	stream.indirect.scatter.add.f32 [tilespmem:s15], [sflag:$0x3], $0x80, s0, s14, $0xb8;
	[tilespmem:$0x1C800] =	vst v63  }
0xa5: {  	_ =	swait.ge [sflag:s11], $0x4000  }
0xa6: {  	[sflag:s11] =	ssyncset.done $0x0  }
0xa7: {  	[sflag:s11] =	ssyncadd.s32 $0xFFFFC000  }
0xa8: {  	_ =	swait.ge [sflag:s20], $0x4000  }
.Ltmp0:
0xa9: {  	[sflag:s20] =	ssyncset.done $0x0;
	(pc) =	sbr.rel @p0 .LBB2_2-.Ltmp0, $4  }
0xaa: {  	[sflag:s20] =	ssyncadd.s32 $0xFFFFC000  }
0xab: {  	[spmem:s1] =	stream.indirect.scatter.add.f32 [tilespmem:s17], [sflag:$0x3], $0x80, s3, s14, $0xb8;
	[tilespmem:$0x1C800] =	vst v63  }
0xac: {  	_ =	swait.ge [sflag:s11], $0x4000  }
0xad: {  	s7 =	smov.u32 s5;
	s8 =	smov.u32 s6;
	[sflag:s11] =	ssyncset.done $0x0  }
0xae: {  	s5 =	sadd.s32 s7, s9;
	[sflag:s11] =	ssyncadd.s32 $0xFFFFC000  }
0xaf: {  	[tilespmem:s12], [sflag:$0x3] =	stream.linear.gather [hbm4b:s5+s2], $0x400, $0x38;
	[tilespmem:$0x1C800] =	vst v63  }
0xb0: {  	_ =	swait.ge [sflag:s11], $0x400  }
0xb1: {  	s6 =	rddreg [dreg:$0x3];
	[sflag:s11] =	ssyncset.done $0x0  }
0xb2: {  	s5 =	sadd.s32 s7, s6;
	[sflag:s11] =	ssyncadd.s32 $0xFFFFFC00  }
0xb3: {  	[tilespmem:s13], [sflag:$0x3] =	stream.linear.gather [hbm4b:s5+s2], $0x400, $0x38;
	[tilespmem:$0x1C800] =	vst v63  }
0xb4: {  	_ =	swait.ge [sflag:s11], $0x400  }
0xb5: {  	[sflag:s11] =	ssyncset.done $0x0  }
0xb6: {  	[sflag:s11] =	ssyncadd.s32 $0xFFFFFC00  }
0xb7: {  	[tilespmem:s15], [sflag:$0x1] =	stream.indirect.gather [hbm4b:s4+s14], $0x80, s12, s14, $0xb8;
	[tilespmem:$0x1C800] =	vst v63  }
0xb8: {  	_ = 	snop  }
0xb9: {  	[tilespmem:s17], [sflag:$0x2] =	stream.indirect.gather [hbm4b:s4+s14], $0x80, s16, s14, $0xb8;
	[tilespmem:$0x1C800] =	vst v63  }
0xba: {  	_ =	swait.ge [sflag:s18], $0x4000  }
0xbb: {  	[sflag:s18] =	ssyncset.done $0x0  }
0xbc: {  	[sflag:s18] =	ssyncadd.s32 $0xFFFFC000  }
0xbd: {  	[spmem:s1] =	stream.indirect.scatter.add.f32 [tilespmem:s15], [sflag:$0x3], $0x80, s13, s14, $0xb8;
	[tilespmem:$0x1C800] =	vst v63  }
0xbe: {  	_ =	swait.ge [sflag:s11], $0x4000  }
0xbf: {  	[sflag:s11] =	ssyncset.done $0x0  }
0xc0: {  	[sflag:s11] =	ssyncadd.s32 $0xFFFFC000  }
0xc1: {  	[tilespmem:s15], [sflag:$0x1] =	stream.indirect.gather [hbm4b:s4+s14], $0x80, s19, s14, $0xb8;
	[tilespmem:$0x1C800] =	vst v63  }
0xc2: {  	_ =	swait.ge [sflag:s20], $0x4000  }
0xc3: {  	[sflag:s20] =	ssyncset.done $0x0  }
0xc4: {  	[sflag:s20] =	ssyncadd.s32 $0xFFFFC000  }
0xc5: {  	[spmem:s1] =	stream.indirect.scatter.add.f32 [tilespmem:s17], [sflag:$0x3], $0x80, s21, s14, $0xb8;
	[tilespmem:$0x1C800] =	vst v63  }
0xc6: {  	_ =	swait.ge [sflag:s11], $0x4000  }
0xc7: {  	[sflag:s11] =	ssyncset.done $0x0  }
0xc8: {  	[sflag:s11] =	ssyncadd.s32 $0xFFFFC000  }
0xc9: {  	[tilespmem:s17], [sflag:$0x2] =	stream.indirect.gather [hbm4b:s4+s14], $0x80, s22, s14, $0xb8;
	[tilespmem:$0x1C800] =	vst v63  }
0xca: {  	_ =	swait.ge [sflag:s18], $0x4000  }
0xcb: {  	[sflag:s18] =	ssyncset.done $0x0  }
0xcc: {  	[sflag:s18] =	ssyncadd.s32 $0xFFFFC000  }
0xcd: {  	[spmem:s1] =	stream.indirect.scatter.add.f32 [tilespmem:s15], [sflag:$0x3], $0x80, s23, s14, $0xb8;
	[tilespmem:$0x1C800] =	vst v63  }
0xce: {  	_ =	swait.ge [sflag:s11], $0x4000  }
0xcf: {  	[sflag:s11] =	ssyncset.done $0x0  }
0xd0: {  	[sflag:s11] =	ssyncadd.s32 $0xFFFFC000  }
0xd1: {  	[tilespmem:s15], [sflag:$0x1] =	stream.indirect.gather [hbm4b:s4+s14], $0x80, s24, s14, $0xb8;
	[tilespmem:$0x1C800] =	vst v63  }
0xd2: {  	_ =	swait.ge [sflag:s20], $0x4000  }
0xd3: {  	[sflag:s20] =	ssyncset.done $0x0  }
0xd4: {  	[sflag:s20] =	ssyncadd.s32 $0xFFFFC000  }
0xd5: {  	[spmem:s1] =	stream.indirect.scatter.add.f32 [tilespmem:s17], [sflag:$0x3], $0x80, s25, s14, $0xb8;
	[tilespmem:$0x1C800] =	vst v63  }
0xd6: {  	_ =	swait.ge [sflag:s11], $0x4000  }
0xd7: {  	[sflag:s11] =	ssyncset.done $0x0  }
0xd8: {  	[sflag:s11] =	ssyncadd.s32 $0xFFFFC000  }
0xd9: {  	[tilespmem:s17], [sflag:$0x2] =	stream.indirect.gather [hbm4b:s4+s14], $0x80, s26, s14, $0xb8;
	[tilespmem:$0x1C800] =	vst v63  }
0xda: {  	_ =	swait.ge [sflag:s18], $0x4000  }
0xdb: {  	[sflag:s18] =	ssyncset.done $0x0  }
0xdc: {  	[sflag:s18] =	ssyncadd.s32 $0xFFFFC000  }
0xdd: {  	[spmem:s1] =	stream.indirect.scatter.add.f32 [tilespmem:s15], [sflag:$0x3], $0x80, s28, s14, $0xb8;
	[tilespmem:$0x1C800] =	vst v63  }
0xde: {  	_ =	swait.ge [sflag:s11], $0x4000  }
0xdf: {  	[sflag:s11] =	ssyncset.done $0x0  }
0xe0: {  	[sflag:s11] =	ssyncadd.s32 $0xFFFFC000  }
0xe1: {  	[tilespmem:s15], [sflag:$0x1] =	stream.indirect.gather [hbm4b:s4+s14], $0x80, s29, s14, $0xb8;
	[tilespmem:$0x1C800] =	vst v63  }
0xe2: {  	_ =	swait.ge [sflag:s20], $0x4000  }
0xe3: {  	[sflag:s20] =	ssyncset.done $0x0  }
0xe4: {  	[sflag:s20] =	ssyncadd.s32 $0xFFFFC000  }
0xe5: {  	[spmem:s1] =	stream.indirect.scatter.add.f32 [tilespmem:s17], [sflag:$0x3], $0x80, s30, s14, $0xb8;
	[tilespmem:$0x1C800] =	vst v63  }
0xe6: {  	_ =	swait.ge [sflag:s11], $0x4000  }
0xe7: {  	[sflag:s11] =	ssyncset.done $0x0  }
0xe8: {  	[sflag:s11] =	ssyncadd.s32 $0xFFFFC000  }
0xe9: {  	[tilespmem:s17], [sflag:$0x2] =	stream.indirect.gather [hbm4b:s4+s14], $0x80, s31, s14, $0xb8;
	[tilespmem:$0x1C800] =	vst v63  }
0xea: {  	_ =	swait.ge [sflag:s18], $0x4000  }
0xeb: {  	[sflag:s18] =	ssyncset.done $0x0  }
0xec: {  	[sflag:s18] =	ssyncadd.s32 $0xFFFFC000  }
0xed: {  	[spmem:s1] =	stream.indirect.scatter.add.f32 [tilespmem:s15], [sflag:$0x3], $0x80, s0, s14, $0xb8;
	[tilespmem:$0x1C800] =	vst v63  }
0xee: {  	_ =	swait.ge [sflag:s11], $0x4000  }
0xef: {  	[sflag:s11] =	ssyncset.done $0x0  }
0xf0: {  	[sflag:s11] =	ssyncadd.s32 $0xFFFFC000  }
0xf1: {  	_ =	swait.ge [sflag:s20], $0x4000  }
0xf2: {  	[sflag:s20] =	ssyncset.done $0x0  }
0xf3: {  	[sflag:s20] =	ssyncadd.s32 $0xFFFFC000  }
0xf4: {  	[spmem:s1] =	stream.indirect.scatter.add.f32 [tilespmem:s17], [sflag:$0x3], $0x80, s3, s14, $0xb8;
	[tilespmem:$0x1C800] =	vst v63  }
0xf5: {  	_ =	swait.ge [sflag:s11], $0x4000  }
0xf6: {  	[sflag:s11] =	ssyncset.done $0x0  }
0xf7: {  	[sflag:s11] =	ssyncadd.s32 $0xFFFFC000  }
0xf8: {  	[bflag:$0x0] =	sbarrier.arrive $0xFFFF  }
0xf9: {  	s7 =	rddreg [dreg:$0x5]  }
0xfa: {  	s8 =	rddreg [dreg:$0x6]  }
0xfb: {  	s6 =	rddreg [dreg:$0x8]  }
0xfc: {  	[hbm:s8], [sflag:s7] =	dma.local [spmem:s6], $0x2800  }
0xfd: {  	_ =	swait.ge [sflag:s11], $0x2800  }
0xfe: {  	s8 =	rddreg [dreg:$0x9]  }
0xff: {  	s10 =	rddreg [dreg:$0x7];
	s8 =	sadd.s32 $0x1, s8  }
0x100: {  	p0 =	sne.s32 s8, s10  }
.Ltmp1:
0x101: {  	_ = 	snop;
	(pc) =	sbr.rel @p0 .LBB2_1-.Ltmp1, $3  }
0x102: {  	_ =	sdelay $0x1  }
0x103: {  	[sflag:s11] =	ssyncset.done $0x0  }
0x104: {  	[sflag:s11] =	ssyncadd.s32 $0xFFFFD800  }
0x105: {  	_ =	sfence.sel $0x180000  }
0x106: {  	[bflag:$0x0] =	sbarrier.arrive $0xFFFF  }
0x107: {  	_ =	strace $0x9000004D  }
0x108: {  	s0 =	stileid.u32;
	[bflag:$0x2] =	sbarrier.arrive $0xFFFF  }
0x109: {  	p0 =	sne.s32 s0, $0x0;
	s0 =	rddreg [dreg:$0x2]  }
0x10a: {  	s0 =	sadd.s32 @!p0 $0x100000, s0  }
0x10b: {  	[sflag:s0] =	ssyncadd.tile.s32 @!p0 $0x1;
	_ =	shalt  }
.Lfunc_end2:
_tile_overlayer_lowered:
.L_overlay_start_2:
0x10c: {  	(tag) =	ssettag $0x2  }
0x10d: {  	s0 =	rddreg [dreg:$0x0];
	s2 =	stileid.u32  }
0x10e: {  	s1 =	rddreg [dreg:$0x1];
	p0 =	sne.s32 s2, $0x0  }
0x10f: {  	s3 =	rddreg [dreg:$0x2];
	[bflag:$0x3] =	sbarrier.arrive $0xFFFF;
	s2 =	simm.s32 @!p0 $0x1C03  }
0x110: {  	[timem:s3], [sflag:s2] =	dma.local @!p0 [hbm:s0], s1  }
0x111: {  	s0 =	simm.s32 @!p0 $0x3  }
0x112: {  	_ =	swait.ge @!p0 [sflag:s0], s1  }
0x113: {  	s1 =	ssub.s32 @!p0 $0x0, s1;
	[sflag:s0] =	ssyncset.done @!p0 $0x0  }
0x114: {  	[sflag:s0] =	ssyncadd.s32 @!p0 s1  }
0x115: {  	[bflag:$0x3] =	sbarrier.arrive $0xFFFF  }
0x116: {  	_ =	shalt  }

// kernel: kernel.6.cloned.1.call-start
scs
__scs_entry_jumppad:
0x0: {  	(pc) =	sbr.rel $0x88, $3  }
0x1: {  	(tag) =	ssettag $0x0;
	lr =	simm.s32 $0x1  }
0x2: {  	[smem:$0x3F95] =	sst lr;
	_ =	strace $0xD0000000  }
0x3: {  	_ = 	snop  }
0x4: {  	_ = 	snop  }
0x5: {  	_ = 	snop  }
0x6: {  	_ = 	snop  }
0x7: {  	_ = 	snop  }
__scs_overlays_trampoline_lowered:
0x8: {  	[smem:$0x3FA4] =	sst s0  }
0x9: {  	[smem:$0x3FA5] =	sst s1  }
0xa: {  	[smem:$0x3FA6] =	sst s2  }
0xb: {  	[smem:$0x3FA7] =	sst s3  }
0xc: {  	[smem:$0x3FA8] =	sst s4  }
0xd: {  	[smem:$0x3FA9] =	sst s5  }
0xe: {  	[smem:$0x3FAA] =	sst s6  }
0xf: {  	[smem:$0x3FAB] =	sst s7  }
0x10: {  	[smem:$0x3FAC] =	sst s8  }
0x11: {  	[smem:$0x3FAD] =	sst s9;
	s0 =	simm.s32 @!p0 $0x0  }
0x12: {  	s1 =	sld [smem:$0x3F93];
	s0 =	simm.s32 @p0 $0x1  }
0x13: {  	[smem:$0x3FAE] =	sst s0;
	s0 =	simm.s32 @!p1 $0x0  }
0x14: {  	s2 =	sld [smem:$0x3F92];
	s0 =	simm.s32 @p1 $0x1  }
0x15: {  	[smem:$0x3FAF] =	sst s0;
	s0 =	simm.s32 @!p2 $0x0  }
0x16: {  	s3 =	sld [smem:$0x3FDB];
	s0 =	simm.s32 @p2 $0x1  }
0x17: {  	s4 =	simm.s32 $0x1BF5;
	[smem:$0x3FB1] =	sst s0  }
0x18: {  	s0 =	sld [smem:$0x3F94];
	_ =	swait.ge [sflag:s4], $0x0  }
0x19: {  	s7 =	sld [smem:$0x3F95]  }
0x1a: {  	s8 =	sadd.s32 $0xFFFFE003, lr  }
0x1b: {  	s9 =	sadd.s32 $0xFFFFFEF7, lr;
	s5 =	simm.s32 $0xFFFFFFFF;
	p2 =	slt.u32 s8, $0xFFFFF086  }
0x1c: {  	p1 =	slt.u32 s9, $0xF7A;
	s5 =	simm.s32 @!p2 $0x0  }
0x1d: {  	s5 =	simm.s32 @p1 $0x1;
	p0 =	seq.s32 s7, s2  }
0x1e: {  	s7 =	smul.u32 @!p0 $0xF7A, s2;
	p2 =	seq.s32 @!p0 s5, $0x0  }
0x1f: {  	s9 =	smul.u32 $0xF7A, s1;
	s8 =	simm.s32 @!p0 $0x1BF5;
	p2 =	por !p2, p0  }
0x20: {  	[sflag:s8] =	ssyncset.s32 @!p0 $0xFFFFF086;
	s6 =	sadd.s32 @!p0 s3, s7;
	s7 =	simm.s32 @!p0 $0x108  }
0x21: {  	s3 =	sadd.s32 s3, s9;
	s6 =	sadd.s32 @!p0 $0x88, s6;
	s7 =	simm.s32 @p2 $0x1082  }
0x22: {  	[simem:s7], [sflag:s8] =	dma.local @!p0 [hbm:s6], $0xF7A  }
0x23: {  	s9 =	sor.u32 $0xD0000000, s2;
	s6 =	simm.s32 $0x108;
	_ =	swait.ge @!p0 [sflag:s8], $0x0  }
0x24: {  	s3 =	sadd.s32 $0x88, s3;
	s6 =	simm.s32 @!p1 $0x1082;
	[sflag:s4] =	ssyncset.s32 $0xFFFFF086  }
0x25: {  	[simem:s6], [sflag:s4] =	dma.local [hbm:s3], $0xF7A  }
0x26: {  	[smem:$0x3F95] =	sst s1;
	(tag) =	ssettag s2;
	_ =	strace s9  }
0x27: {  	s1 =	sld [smem:$0x3FA5]  }
0x28: {  	s2 =	sld [smem:$0x3FA6]  }
0x29: {  	s4 =	sld [smem:$0x3FA8]  }
0x2a: {  	p0 =	seq.s32 s5, $0x0;
	s5 =	sld [smem:$0x3FA9]  }
0x2b: {  	s6 =	sld [smem:$0x3FAA]  }
0x2c: {  	s7 =	sld [smem:$0x3FAB]  }
0x2d: {  	s3 =	simm.s32 $0x108;
	s8 =	sld [smem:$0x3FAC]  }
0x2e: {  	s3 =	simm.s32 @!p0 $0x1082;
	s9 =	sld [smem:$0x3FAD]  }
0x2f: {  	lr =	sadd.s32 s0, s3;
	s0 =	sld [smem:$0x3FA4]  }
0x30: {  	s3 =	sld [smem:$0x3FA7]  }
0x31: {  	[smem:$0x3FB0] =	sst s10  }
0x32: {  	s10 =	sld [smem:$0x3FAE];
	_ =	sdelay $0x3  }
0x33: {  	p0 =	seq.s32 s10, $0x1;
	s10 =	sld [smem:$0x3FB0];
	_ =	sdelay $0x3  }
0x34: {  	[smem:$0x3FB0] =	sst s10  }
0x35: {  	s10 =	sld [smem:$0x3FAF];
	_ =	sdelay $0x3  }
0x36: {  	p1 =	seq.s32 s10, $0x1;
	s10 =	sld [smem:$0x3FB0];
	_ =	sdelay $0x3  }
0x37: {  	[smem:$0x3FB0] =	sst s10  }
0x38: {  	s10 =	sld [smem:$0x3FB1]  }
0x39: {  	_ = 	snop;
	(pc) =	sbr.ind lr, $3  }
0x3a: {  	_ = 	snop  }
0x3b: {  	_ = 	snop  }
0x3c: {  	p2 =	seq.s32 s10, $0x1;
	s10 =	sld [smem:$0x3FB0]  }
0x3d: {  	_ =	shalt  }
0x3e: {  	_ =	shalt  }
0x3f: {  	_ =	shalt  }
0x40: {  	_ =	shalt  }
0x41: {  	_ =	shalt  }
0x42: {  	_ =	shalt  }
0x43: {  	_ =	shalt  }
0x44: {  	_ =	shalt  }
0x45: {  	_ =	shalt  }
0x46: {  	_ =	shalt  }
0x47: {  	_ =	shalt  }
0x48: {  	_ =	shalt  }
0x49: {  	_ =	shalt  }
0x4a: {  	_ =	shalt  }
0x4b: {  	_ =	shalt  }
0x4c: {  	_ =	shalt  }
0x4d: {  	_ =	shalt  }
0x4e: {  	_ =	shalt  }
0x4f: {  	_ =	shalt  }
0x50: {  	_ =	shalt  }
0x51: {  	_ =	shalt  }
0x52: {  	_ =	shalt  }
0x53: {  	_ =	shalt  }
0x54: {  	_ =	shalt  }
0x55: {  	_ =	shalt  }
0x56: {  	_ =	shalt  }
0x57: {  	_ =	shalt  }
0x58: {  	_ =	shalt  }
0x59: {  	_ =	shalt  }
0x5a: {  	_ =	shalt  }
0x5b: {  	_ =	shalt  }
0x5c: {  	_ =	shalt  }
0x5d: {  	_ =	shalt  }
0x5e: {  	_ =	shalt  }
0x5f: {  	_ =	shalt  }
0x60: {  	_ =	shalt  }
0x61: {  	_ =	shalt  }
0x62: {  	_ =	shalt  }
0x63: {  	_ =	shalt  }
0x64: {  	_ =	shalt  }
0x65: {  	_ =	shalt  }
0x66: {  	_ =	shalt  }
0x67: {  	_ =	shalt  }
0x68: {  	_ =	shalt  }
0x69: {  	_ =	shalt  }
0x6a: {  	_ =	shalt  }
0x6b: {  	_ =	shalt  }
0x6c: {  	_ =	shalt  }
0x6d: {  	_ =	shalt  }
0x6e: {  	_ =	shalt  }
0x6f: {  	_ =	shalt  }
0x70: {  	_ =	shalt  }
0x71: {  	_ =	shalt  }
0x72: {  	_ =	shalt  }
0x73: {  	_ =	shalt  }
0x74: {  	_ =	shalt  }
0x75: {  	_ =	shalt  }
0x76: {  	_ =	shalt  }
0x77: {  	_ =	shalt  }
0x78: {  	_ =	shalt  }
0x79: {  	_ =	shalt  }
0x7a: {  	_ =	shalt  }
0x7b: {  	_ =	shalt  }
0x7c: {  	_ =	shalt  }
0x7d: {  	_ =	shalt  }
0x7e: {  	_ =	shalt  }
0x7f: {  	_ =	shalt  }
0x80: {  	_ =	shalt  }
0x81: {  	_ =	shalt  }
0x82: {  	_ =	shalt  }
0x83: {  	_ =	shalt  }
0x84: {  	_ =	shalt  }
0x85: {  	_ =	shalt  }
0x86: {  	_ =	shalt  }
0x87: {  	_ =	shalt  }
.Lfunc_end0:
.L_simem_size_0:
called_computation.1_lowered:
.L_overlay_start_0:
0x88: {  	s2 =	sld [smem:$0x3FD9]  }
0x89: {  	s3 =	sld [smem:$0x3FFE];
	_ =	sdelay $0x1  }
0x8a: {  	s1 =	srdreg.scid  }
0x8b: {  	s0 =	sand.u32 $0x1, s1  }
0x8c: {  	s17 =	sshll.u32 s0, $0xA;
	s2 =	sadd.s32 s3, s2  }
0x8d: {  	s2 =	sadd.s32 s2, s17  }
0x8e: {  	[smem:$0x3FBC] =	sst s2  }
0x8f: {  	_ = 	snop  }
0x90: {  	s2 =	sld [smem:$0x3FD0];
	(tm) =	ssettm $0x1  }
0x91: {  	s18 =	sld [smem:$0x3FFB];
	_ =	sdelay $0x3  }
0x92: {  	_ =	strace s18  }
0x93: {  	s3 =	sld [smem:$0x3FFC];
	_ =	sdelay $0x3  }
0x94: {  	_ =	strace s3  }
0x95: {  	s3 =	sld [smem:$0x3FFD];
	_ =	sdelay $0x3  }
0x96: {  	_ =	strace s3  }
0x97: {  	_ =	strace $0x8FFFFFFF  }
0x98: {  	s19 =	sld [smem:$0x3FDB];
	_ =	sdelay $0x1  }
0x99: {  	s4 =	simm.s32 $_scs_section_size  }
0x9a: {  	s5 =	simm.s32 $_size__tile_overlayer_lowered;
	s6 =	simm.s32 $_tile_overlayer_lowered  }
0x9b: {  	s22 =	simm.s32 $0x1BFF;
	s21 =	sshll.u32 s6, $0x1;
	s3 =	sadd.s32 s4, s19  }
0x9c: {  	s7 =	simm.s32 $0x0;
	s20 =	sshll.u32 s5, $0x1;
	s5 =	sadd.s32 s21, s3  }
0x9d: {  	[timem:s7], [sflag:s22] =	dma.local [hbm:s5], s20  }
0x9e: {  	_ =	swait.ge [sflag:s22], s20  }
0x9f: {  	s4 =	ssub.s32 $0x0, s20;
	[sflag:s22] =	ssyncset.done $0x0  }
0xa0: {  	[sflag:s22] =	ssyncadd.s32 s4;
	_ =	sdelay $0x1  }
0xa1: {  	s23 =	simm.s32 $0x1B8B  }
0xa2: {  	_ =	swait.ge [sflag:s23], $0x1  }
0xa3: {  	[sflag:s23] =	ssyncset.done $0x0  }
0xa4: {  	s25 =	simm.s32 $0x1B8E;
	s24 =	sld [smem:$0x3FFE];
	[sflag:s23] =	ssyncadd.s32 $0xFFFFFFFF  }
0xa5: {  	s26 =	simm.s32 $execute0_lowered;
	[smem:$0x3FD2] =	sst s25  }
0xa6: {  	s5 =	sshll.u32 s26, $0x1;
	_ =	strace $0x80000046;
	[dreg:$0x1] =	wrdreg $0xFFFFFFFF  }
0xa7: {  	s28 =	simm.s32 $_size_execute0_lowered;
	s3 =	sadd.s32 s3, s5;
	[dreg:$0x0] =	wrdreg $0x0  }
0xa8: {  	s5 =	sshll.u32 s28, $0x1;
	[dreg:$0x2] =	wrdreg s3  }
0xa9: {  	[dreg:$0x3] =	wrdreg s5  }
0xaa: {  	[dreg:$0x4] =	wrdreg $0xC0  }
0xab: {  	_ =	task [dreg:s7], $0x5FFFF  }
0xac: {  	[dreg:$0x1] =	wrdreg $0xFFFFFFFF  }
0xad: {  	[dreg:$0x0] =	wrdreg $0x60  }
0xae: {  	[dreg:$0x2] =	wrdreg s24  }
0xaf: {  	[dreg:$0x3] =	wrdreg s2  }
0xb0: {  	[dreg:$0x4] =	wrdreg $0x0  }
0xb1: {  	[dreg:$0x5] =	wrdreg $0x9  }
0xb2: {  	_ =	task.clear_ibuf [dreg:s7], $0x6FFFF;
	_ =	strace $0x90000046  }
0xb3: {  	s29 =	simm.s32 $0x9;
	_ =	strace $0x80000048  }
0xb4: {  	_ =	swait.ge [sflag:s29], $0x1  }
0xb5: {  	[sflag:s29] =	ssyncadd.s32 $0xFFFFFFFF  }
0xb6: {  	_ =	strace $0x90000048  }
0xb7: {  	_ =	sfence  }
0xb8: {  	s30 =	sld [smem:$0x0];
	_ =	sdelay $0x2  }
0xb9: {  	s31 =	sshll.u32 s1, $0xD;
	s1 =	sshrl.u32 s1, $0x2  }
0xba: {  	s3 =	sand.u32 $0x4000, s31;
	s1 =	sadd.s32 s1, s30  }
0xbb: {  	s0 =	sor.u32 s3, s0;
	s1 =	sshll.u32 s1, $0x11  }
0xbc: {  	s0 =	sor.u32 s1, s0  }
0xbd: {  	s0 =	sadd.s32 $0x8F2B, s0  }
0xbe: {  	[sflag:s0] =	ssyncadd.remote.s32 $0x1  }
0xbf: {  	_ =	sfence.sel $0xFFFF  }
0xc0: {  	[dreg:$0x0] =	wrdreg $0xFFFFFFFF;
	(pc) =	sbr.abs _section_cstart, $3  }
0xc1: {  	[dreg:$0x1] =	wrdreg $0xFFFFFFFF  }
0xc2: {  	_ =	task.clear_ibuf [dreg:s7], $0x2FFFF;
	_ =	strace $0x9FFFFFFF  }
0xc3: {  	(tm) =	ssettm $0x7FFFFFFF  }
tec
execute0_lowered:
.L_overlay_start_1:
0x0: {  	(tag) =	ssettag $0x1  }
0x1: {  	s7 =	rddreg [dreg:$0x0]  }
0x2: {  	s0 =	srdreg.scid;
	s2 =	rddreg [dreg:$0x1]  }
0x3: {  	s3 =	rddreg [dreg:$0x2];
	s6 =	sand.u32 $0x1, s0;
	s0 =	stileid.u32  }
0x4: {  	s4 =	simm.s32 $0x0;
	s14 =	simm.s32 $0x80;
	s8 =	smul.u32 $0x2800, s0  }
0x5: {  	s15 =	simm.s32 $0x0;
	[smem:$0x7FF] =	sst s4;
	s9 =	smul.u32 $0x28000, s6  }
0x6: {  	s1 =	sshll.u32 s6, $0x4;
	s30 =	smul.u32 $0x50000, s0;
	s6 =	ssub.s32 $0x2, s6  }
0x7: {  	s11 =	sshll.u32 s0, $0x6;
	s1 =	sor.u32 s0, s1;
	s31 =	sshrl.u32 s6, $0x1  }
0x8: {  	s5 =	smul.u32 $0x500, s1;
	s1 =	rddreg [dreg:$0x3];
	_ =	strace $0x80000047  }
0x9: {  	s8 =	sadd.s32 s8, s9;
	s9 =	sshrl.u32 s30, $0x2;
	s12 =	ssub.s32 s6, s31  }
0xa: {  	s6 =	sor.u32 $0x1C01, s11;
	s11 =	simm.s32 $0x1;
	s8 =	sadd.s32 s8, s7  }
0xb: {  	s13 =	sadd.s32 s9, s3;
	s9 =	smax.u32 s12, $0x1;
	s12 =	simm.s32 $0x16800  }
0xc: {  	s10 =	sadd.s32 s5, s7;
	s5 =	sadd.s32 $0x15A00, s7;
	s8 =	sadd.s32 $0x18200, s8  }
0xd: {  	s7 =	sadd.s32 $0xBA00, s10;
	s10 =	sshrl.u32 s13, $0x3;
	s13 =	simm.s32 $0x14000  }
.LBB2_1:
0xe: {  	[spmem:s10], [sflag:s6] =	dma.local [hbm:s5], $0x2800  }
0xf: {  	_ =	swait.ge [sflag:s11], $0x2800  }
0x10: {  	[sflag:s11] =	ssyncset.done $0x0  }
0x11: {  	[sflag:s11] =	ssyncadd.s32 $0xFFFFD800  }
0x12: {  	[tilespmem:s12], [sflag:$0x1] =	stream.linear.gather [hbm4b:s2+s4], $0x4000, $0x38;
	[tilespmem:$0x1A800] =	vst v63  }
0x13: {  	_ =	swait.ge [sflag:s11], $0x4000  }
0x14: {  	[sflag:s11] =	ssyncset.done $0x0  }
0x15: {  	[sflag:s11] =	ssyncadd.s32 $0xFFFFC000  }
0x16: {  	[tilespmem:s13], [sflag:$0x1] =	stream.linear.gather [hbm4b:s7+s4], $0x2800, $0x38;
	[tilespmem:$0x1A800] =	vst v63  }
0x17: {  	_ =	swait.ge [sflag:s11], $0x2800  }
0x18: {  	[sflag:s11] =	ssyncset.done $0x0  }
0x19: {  	[sflag:s11] =	ssyncadd.s32 $0xFFFFD800  }
0x1a: {  	s16 =	simm.s32 $0x14000;
	[bflag:$0x0] =	sbarrier.arrive $0xFFFF  }
0x1b: {  	[spmem:s3] =	stream.indirect.scatter.add.f32 [tilespmem:s12], [sflag:$0x1], $0x80, s16, s14, $0xb8;
	[tilespmem:$0x1A800] =	vst v63  }
0x1c: {  	s16 =	simm.s32 $0x200;
	_ =	swait.ge [sflag:s11], $0x4000  }
.LBB2_2:
0x1d: {  	s17 =	sshra.s32 s16, $0x2;
	[sflag:s11] =	ssyncset.done $0x0;
	p0 =	sne.s32 s16, $0x9E00  }
.Ltmp0:
0x1e: {  	s17 =	sadd.s32 $0x14000, s17;
	[sflag:s11] =	ssyncadd.s32 $0xFFFFC000;
	(pc) =	sbr.rel @p0 .LBB2_2-.Ltmp0, $3  }
0x1f: {  	[spmem:s3] =	stream.indirect.scatter.add.f32 [tilespmem:s12], [sflag:$0x1], $0x80, s17, s14, $0xb8;
	[tilespmem:$0x1A800] =	vst v63  }
0x20: {  	s16 =	sadd.s32 $0x200, s16;
	_ =	sdelay $0x1  }
0x21: {  	_ =	swait.ge [sflag:s11], $0x4000  }
0x22: {  	[sflag:s11] =	ssyncset.done $0x0;
	s15 =	sadd.s32 $0x1, s15  }
0x23: {  	[sflag:s11] =	ssyncadd.s32 $0xFFFFC000;
	p0 =	sne.s32 s15, s9  }
.Ltmp1:
0x24: {  	[bflag:$0x0] =	sbarrier.arrive $0xFFFF;
	(pc) =	sbr.rel @p0 .LBB2_1-.Ltmp1, $4  }
0x25: {  	[hbm:s8], [sflag:s6] =	dma.local [spmem:s10], $0x2800  }
0x26: {  	_ =	swait.ge [sflag:s11], $0x2800  }
0x27: {  	[sflag:s11] =	ssyncset.done $0x0  }
0x28: {  	[sflag:s11] =	ssyncadd.s32 $0xFFFFD800  }
0x29: {  	_ =	sfence.sel $0x180000  }
0x2a: {  	[bflag:$0x0] =	sbarrier.arrive $0xFFFF  }
0x2b: {  	p0 =	sne.s32 s0, $0x0;
	_ =	strace $0x90000047  }
0x2c: {  	s0 =	sadd.s32 @!p0 $0x100000, s1;
	[bflag:$0x2] =	sbarrier.arrive $0xFFFF  }
0x2d: {  	[sflag:s0] =	ssyncadd.tile.s32 @!p0 $0x1;
	_ =	shalt  }
.Lfunc_end2:
_tile_overlayer_lowered:
.L_overlay_start_2:
0x2e: {  	(tag) =	ssettag $0x2  }
0x2f: {  	s0 =	rddreg [dreg:$0x0];
	s2 =	stileid.u32  }
0x30: {  	s1 =	rddreg [dreg:$0x1];
	p0 =	sne.s32 s2, $0x0  }
0x31: {  	s3 =	rddreg [dreg:$0x2];
	[bflag:$0x3] =	sbarrier.arrive $0xFFFF;
	s2 =	simm.s32 @!p0 $0x1C01  }
0x32: {  	[timem:s3], [sflag:s2] =	dma.local @!p0 [hbm:s0], s1  }
0x33: {  	s0 =	simm.s32 @!p0 $0x1  }
0x34: {  	_ =	swait.ge @!p0 [sflag:s0], s1  }
0x35: {  	s1 =	ssub.s32 @!p0 $0x0, s1;
	[sflag:s0] =	ssyncset.done @!p0 $0x0  }
0x36: {  	[sflag:s0] =	ssyncadd.s32 @!p0 s1  }
0x37: {  	[bflag:$0x3] =	sbarrier.arrive $0xFFFF  }
0x38: {  	_ =	shalt  }

// kernel: kernel.9.cloned.1.call-start
scs
__scs_entry_jumppad:
0x0: {  	(pc) =	sbr.rel $0x88, $3  }
0x1: {  	(tag) =	ssettag $0x0;
	lr =	simm.s32 $0x1  }
0x2: {  	[smem:$0x3F95] =	sst lr;
	_ =	strace $0xD0000000  }
0x3: {  	_ = 	snop  }
0x4: {  	_ = 	snop  }
0x5: {  	_ = 	snop  }
0x6: {  	_ = 	snop  }
0x7: {  	_ = 	snop  }
__scs_overlays_trampoline_lowered:
0x8: {  	[smem:$0x3FA4] =	sst s0  }
0x9: {  	[smem:$0x3FA5] =	sst s1  }
0xa: {  	[smem:$0x3FA6] =	sst s2  }
0xb: {  	[smem:$0x3FA7] =	sst s3  }
0xc: {  	[smem:$0x3FA8] =	sst s4  }
0xd: {  	[smem:$0x3FA9] =	sst s5  }
0xe: {  	[smem:$0x3FAA] =	sst s6  }
0xf: {  	[smem:$0x3FAB] =	sst s7  }
0x10: {  	[smem:$0x3FAC] =	sst s8  }
0x11: {  	[smem:$0x3FAD] =	sst s9;
	s0 =	simm.s32 @!p0 $0x0  }
0x12: {  	s1 =	sld [smem:$0x3F93];
	s0 =	simm.s32 @p0 $0x1  }
0x13: {  	[smem:$0x3FAE] =	sst s0;
	s0 =	simm.s32 @!p1 $0x0  }
0x14: {  	s2 =	sld [smem:$0x3F92];
	s0 =	simm.s32 @p1 $0x1  }
0x15: {  	[smem:$0x3FAF] =	sst s0;
	s0 =	simm.s32 @!p2 $0x0  }
0x16: {  	s3 =	sld [smem:$0x3FDB];
	s0 =	simm.s32 @p2 $0x1  }
0x17: {  	s4 =	simm.s32 $0x1BF5;
	[smem:$0x3FB1] =	sst s0  }
0x18: {  	s0 =	sld [smem:$0x3F94];
	_ =	swait.ge [sflag:s4], $0x0  }
0x19: {  	s7 =	sld [smem:$0x3F95]  }
0x1a: {  	s8 =	sadd.s32 $0xFFFFE003, lr  }
0x1b: {  	s9 =	sadd.s32 $0xFFFFFEF7, lr;
	s5 =	simm.s32 $0xFFFFFFFF;
	p2 =	slt.u32 s8, $0xFFFFF086  }
0x1c: {  	p1 =	slt.u32 s9, $0xF7A;
	s5 =	simm.s32 @!p2 $0x0  }
0x1d: {  	s5 =	simm.s32 @p1 $0x1;
	p0 =	seq.s32 s7, s2  }
0x1e: {  	s7 =	smul.u32 @!p0 $0xF7A, s2;
	p2 =	seq.s32 @!p0 s5, $0x0  }
0x1f: {  	s9 =	smul.u32 $0xF7A, s1;
	s8 =	simm.s32 @!p0 $0x1BF5;
	p2 =	por !p2, p0  }
0x20: {  	[sflag:s8] =	ssyncset.s32 @!p0 $0xFFFFF086;
	s6 =	sadd.s32 @!p0 s3, s7;
	s7 =	simm.s32 @!p0 $0x108  }
0x21: {  	s3 =	sadd.s32 s3, s9;
	s6 =	sadd.s32 @!p0 $0x88, s6;
	s7 =	simm.s32 @p2 $0x1082  }
0x22: {  	[simem:s7], [sflag:s8] =	dma.local @!p0 [hbm:s6], $0xF7A  }
0x23: {  	s9 =	sor.u32 $0xD0000000, s2;
	s6 =	simm.s32 $0x108;
	_ =	swait.ge @!p0 [sflag:s8], $0x0  }
0x24: {  	s3 =	sadd.s32 $0x88, s3;
	s6 =	simm.s32 @!p1 $0x1082;
	[sflag:s4] =	ssyncset.s32 $0xFFFFF086  }
0x25: {  	[simem:s6], [sflag:s4] =	dma.local [hbm:s3], $0xF7A  }
0x26: {  	[smem:$0x3F95] =	sst s1;
	(tag) =	ssettag s2;
	_ =	strace s9  }
0x27: {  	s1 =	sld [smem:$0x3FA5]  }
0x28: {  	s2 =	sld [smem:$0x3FA6]  }
0x29: {  	s4 =	sld [smem:$0x3FA8]  }
0x2a: {  	p0 =	seq.s32 s5, $0x0;
	s5 =	sld [smem:$0x3FA9]  }
0x2b: {  	s6 =	sld [smem:$0x3FAA]  }
0x2c: {  	s7 =	sld [smem:$0x3FAB]  }
0x2d: {  	s3 =	simm.s32 $0x108;
	s8 =	sld [smem:$0x3FAC]  }
0x2e: {  	s3 =	simm.s32 @!p0 $0x1082;
	s9 =	sld [smem:$0x3FAD]  }
0x2f: {  	lr =	sadd.s32 s0, s3;
	s0 =	sld [smem:$0x3FA4]  }
0x30: {  	s3 =	sld [smem:$0x3FA7]  }
0x31: {  	[smem:$0x3FB0] =	sst s10  }
0x32: {  	s10 =	sld [smem:$0x3FAE];
	_ =	sdelay $0x3  }
0x33: {  	p0 =	seq.s32 s10, $0x1;
	s10 =	sld [smem:$0x3FB0];
	_ =	sdelay $0x3  }
0x34: {  	[smem:$0x3FB0] =	sst s10  }
0x35: {  	s10 =	sld [smem:$0x3FAF];
	_ =	sdelay $0x3  }
0x36: {  	p1 =	seq.s32 s10, $0x1;
	s10 =	sld [smem:$0x3FB0];
	_ =	sdelay $0x3  }
0x37: {  	[smem:$0x3FB0] =	sst s10  }
0x38: {  	s10 =	sld [smem:$0x3FB1]  }
0x39: {  	_ = 	snop;
	(pc) =	sbr.ind lr, $3  }
0x3a: {  	_ = 	snop  }
0x3b: {  	_ = 	snop  }
0x3c: {  	p2 =	seq.s32 s10, $0x1;
	s10 =	sld [smem:$0x3FB0]  }
0x3d: {  	_ =	shalt  }
0x3e: {  	_ =	shalt  }
0x3f: {  	_ =	shalt  }
0x40: {  	_ =	shalt  }
0x41: {  	_ =	shalt  }
0x42: {  	_ =	shalt  }
0x43: {  	_ =	shalt  }
0x44: {  	_ =	shalt  }
0x45: {  	_ =	shalt  }
0x46: {  	_ =	shalt  }
0x47: {  	_ =	shalt  }
0x48: {  	_ =	shalt  }
0x49: {  	_ =	shalt  }
0x4a: {  	_ =	shalt  }
0x4b: {  	_ =	shalt  }
0x4c: {  	_ =	shalt  }
0x4d: {  	_ =	shalt  }
0x4e: {  	_ =	shalt  }
0x4f: {  	_ =	shalt  }
0x50: {  	_ =	shalt  }
0x51: {  	_ =	shalt  }
0x52: {  	_ =	shalt  }
0x53: {  	_ =	shalt  }
0x54: {  	_ =	shalt  }
0x55: {  	_ =	shalt  }
0x56: {  	_ =	shalt  }
0x57: {  	_ =	shalt  }
0x58: {  	_ =	shalt  }
0x59: {  	_ =	shalt  }
0x5a: {  	_ =	shalt  }
0x5b: {  	_ =	shalt  }
0x5c: {  	_ =	shalt  }
0x5d: {  	_ =	shalt  }
0x5e: {  	_ =	shalt  }
0x5f: {  	_ =	shalt  }
0x60: {  	_ =	shalt  }
0x61: {  	_ =	shalt  }
0x62: {  	_ =	shalt  }
0x63: {  	_ =	shalt  }
0x64: {  	_ =	shalt  }
0x65: {  	_ =	shalt  }
0x66: {  	_ =	shalt  }
0x67: {  	_ =	shalt  }
0x68: {  	_ =	shalt  }
0x69: {  	_ =	shalt  }
0x6a: {  	_ =	shalt  }
0x6b: {  	_ =	shalt  }
0x6c: {  	_ =	shalt  }
0x6d: {  	_ =	shalt  }
0x6e: {  	_ =	shalt  }
0x6f: {  	_ =	shalt  }
0x70: {  	_ =	shalt  }
0x71: {  	_ =	shalt  }
0x72: {  	_ =	shalt  }
0x73: {  	_ =	shalt  }
0x74: {  	_ =	shalt  }
0x75: {  	_ =	shalt  }
0x76: {  	_ =	shalt  }
0x77: {  	_ =	shalt  }
0x78: {  	_ =	shalt  }
0x79: {  	_ =	shalt  }
0x7a: {  	_ =	shalt  }
0x7b: {  	_ =	shalt  }
0x7c: {  	_ =	shalt  }
0x7d: {  	_ =	shalt  }
0x7e: {  	_ =	shalt  }
0x7f: {  	_ =	shalt  }
0x80: {  	_ =	shalt  }
0x81: {  	_ =	shalt  }
0x82: {  	_ =	shalt  }
0x83: {  	_ =	shalt  }
0x84: {  	_ =	shalt  }
0x85: {  	_ =	shalt  }
0x86: {  	_ =	shalt  }
0x87: {  	_ =	shalt  }
.Lfunc_end0:
.L_simem_size_0:
called_computation.2_lowered:
.L_overlay_start_0:
0x88: {  	s2 =	sld [smem:$0x3FD9]  }
0x89: {  	s3 =	sld [smem:$0x3FFE];
	_ =	sdelay $0x1  }
0x8a: {  	s1 =	srdreg.scid  }
0x8b: {  	s0 =	sand.u32 $0x1, s1  }
0x8c: {  	s16 =	sshll.u32 s0, $0xA;
	s2 =	sadd.s32 s3, s2  }
0x8d: {  	s2 =	sadd.s32 s2, s16  }
0x8e: {  	[smem:$0x3FBC] =	sst s2  }
0x8f: {  	_ = 	snop  }
0x90: {  	(tm) =	ssettm $0x1  }
0x91: {  	s17 =	sld [smem:$0x3FFB];
	_ =	sdelay $0x3  }
0x92: {  	_ =	strace s17  }
0x93: {  	s2 =	sld [smem:$0x3FFC];
	_ =	sdelay $0x3  }
0x94: {  	_ =	strace s2  }
0x95: {  	s2 =	sld [smem:$0x3FFD];
	_ =	sdelay $0x3  }
0x96: {  	_ =	strace s2  }
0x97: {  	_ =	strace $0x8FFFFFFF  }
0x98: {  	s18 =	sld [smem:$0x3FDB];
	_ =	sdelay $0x1  }
0x99: {  	s19 =	simm.s32 $_scs_section_size  }
0x9a: {  	s4 =	simm.s32 $_size__tile_overlayer_lowered;
	s5 =	simm.s32 $_tile_overlayer_lowered  }
0x9b: {  	s22 =	simm.s32 $0x1BFF;
	s21 =	sshll.u32 s5, $0x1;
	s2 =	sadd.s32 s19, s18  }
0x9c: {  	s6 =	simm.s32 $0x0;
	s20 =	sshll.u32 s4, $0x1;
	s4 =	sadd.s32 s21, s2  }
0x9d: {  	[timem:s6], [sflag:s22] =	dma.local [hbm:s4], s20  }
0x9e: {  	_ =	swait.ge [sflag:s22], s20  }
0x9f: {  	s3 =	ssub.s32 $0x0, s20;
	[sflag:s22] =	ssyncset.done $0x0  }
0xa0: {  	[sflag:s22] =	ssyncadd.s32 s3;
	_ =	sdelay $0x1  }
0xa1: {  	s23 =	simm.s32 $0x1B8B  }
0xa2: {  	_ =	swait.ge [sflag:s23], $0x1  }
0xa3: {  	[sflag:s23] =	ssyncset.done $0x0  }
0xa4: {  	s25 =	simm.s32 $0x1B8E;
	s24 =	sld [smem:$0x3FFE];
	[sflag:s23] =	ssyncadd.s32 $0xFFFFFFFF  }
0xa5: {  	s26 =	simm.s32 $execute0_lowered;
	[smem:$0x3FD2] =	sst s25  }
0xa6: {  	s4 =	sshll.u32 s26, $0x1;
	_ =	strace $0x80000049;
	[dreg:$0x1] =	wrdreg $0xFFFFFFFF  }
0xa7: {  	s28 =	simm.s32 $_size_execute0_lowered;
	s2 =	sadd.s32 s2, s4;
	[dreg:$0x0] =	wrdreg $0x0  }
0xa8: {  	s4 =	sshll.u32 s28, $0x1;
	[dreg:$0x2] =	wrdreg s2  }
0xa9: {  	[dreg:$0x3] =	wrdreg s4  }
0xaa: {  	[dreg:$0x4] =	wrdreg $0xC0  }
0xab: {  	_ =	task [dreg:s6], $0x5FFFF  }
0xac: {  	[dreg:$0x1] =	wrdreg $0xFFFFFFFF  }
0xad: {  	[dreg:$0x0] =	wrdreg $0x60  }
0xae: {  	[dreg:$0x2] =	wrdreg s24  }
0xaf: {  	[dreg:$0x3] =	wrdreg $0x0  }
0xb0: {  	[dreg:$0x4] =	wrdreg $0x9  }
0xb1: {  	_ =	task.clear_ibuf [dreg:s6], $0x5FFFF;
	_ =	strace $0x90000049  }
0xb2: {  	s29 =	simm.s32 $0x9;
	_ =	strace $0x8000004B  }
0xb3: {  	_ =	swait.ge [sflag:s29], $0x1  }
0xb4: {  	[sflag:s29] =	ssyncadd.s32 $0xFFFFFFFF  }
0xb5: {  	_ =	strace $0x9000004B  }
0xb6: {  	_ =	sfence  }
0xb7: {  	s30 =	sld [smem:$0x0];
	_ =	sdelay $0x2  }
0xb8: {  	s31 =	sshll.u32 s1, $0xD;
	s1 =	sshrl.u32 s1, $0x2  }
0xb9: {  	s3 =	sand.u32 $0x4000, s31;
	s1 =	sadd.s32 s1, s30  }
0xba: {  	s0 =	sor.u32 s3, s0;
	s1 =	sshll.u32 s1, $0x11  }
0xbb: {  	s0 =	sor.u32 s1, s0  }
0xbc: {  	s0 =	sadd.s32 $0x8F2B, s0  }
0xbd: {  	[sflag:s0] =	ssyncadd.remote.s32 $0x1  }
0xbe: {  	_ =	sfence.sel $0xFFFF  }
0xbf: {  	[dreg:$0x0] =	wrdreg $0xFFFFFFFF;
	(pc) =	sbr.abs _section_cstart, $3  }
0xc0: {  	[dreg:$0x1] =	wrdreg $0xFFFFFFFF  }
0xc1: {  	_ =	task.clear_ibuf [dreg:s6], $0x2FFFF;
	_ =	strace $0x9FFFFFFF  }
0xc2: {  	(tm) =	ssettm $0x7FFFFFFF  }
0xc3: {  	_ =	shalt  }
tec
execute0_lowered:
.L_overlay_start_1:
0x0: {  	(tag) =	ssettag $0x1  }
0x1: {  	s0 =	rddreg [dreg:$0x0]  }
0x2: {  	s1 =	rddreg [dreg:$0x1];
	s2 =	simm.s32 $0x0  }
0x3: {  	s3 =	srdreg.scid;
	s10 =	stileid.u32;
	s11 =	simm.s32 $0x3  }
0x4: {  	s12 =	simm.s32 $0x14000;
	s13 =	simm.s32 $0x14400;
	s14 =	simm.s32 $0x80  }
0x5: {  	s15 =	simm.s32 $0x14800;
	s16 =	simm.s32 $0x14080;
	s17 =	simm.s32 $0x18800  }
0x6: {  	s18 =	simm.s32 $0x1;
	s19 =	simm.s32 $0x14100;
	s20 =	simm.s32 $0x2  }
0x7: {  	s21 =	simm.s32 $0x14480;
	s28 =	simm.s32 $0x14600;
	s29 =	simm.s32 $0x14300  }
0x8: {  	s30 =	simm.s32 $0x14680;
	s31 =	simm.s32 $0x14380;
	s6 =	smul.u32 $0x2800, s10  }
0x9: {  	[smem:$0x7FF] =	sst s2;
	s3 =	sand.u32 $0x1, s3;
	s22 =	smul.u32 $0x50000, s10  }
0xa: {  	s4 =	sadd.s32 $0x90600, s0;
	s8 =	sadd.s32 $0x15A00, s0;
	s9 =	smul.u32 $0x500, s10  }
0xb: {  	s25 =	sshll.u32 s10, $0x6;
	s5 =	smul.u32 $0x5000, s3;
	_ =	strace $0x8000004A  }
0xc: {  	s7 =	smul.u32 $0x28000, s3;
	[dreg:$0x4] =	wrdreg s8;
	s3 =	ssub.s32 $0x2, s3  }
0xd: {  	s8 =	simm.s32 $0x0;
	s23 =	sshrl.u32 s3, $0x1;
	s24 =	sshrl.u32 s22, $0x2  }
0xe: {  	s22 =	simm.s32 $0x14180;
	s5 =	sadd.s32 s5, s0;
	s6 =	sadd.s32 s6, s7  }
0xf: {  	s3 =	ssub.s32 s3, s23;
	s7 =	sor.u32 $0x1C03, s25;
	s23 =	simm.s32 $0x14500  }
0x10: {  	s25 =	simm.s32 $0x14580;
	s0 =	sadd.s32 s6, s0;
	s6 =	sadd.s32 s24, s1  }
0x11: {  	s5 =	sadd.s32 s9, s5;
	s3 =	smax.u32 s3, $0x1;
	[dreg:$0x5] =	wrdreg s7  }
0x12: {  	s24 =	simm.s32 $0x14200;
	s0 =	sadd.s32 $0x18200, s0;
	[dreg:$0x7] =	wrdreg s3  }
0x13: {  	s26 =	sadd.s32 $0xBA00, s5;
	s9 =	sadd.s32 $0x1A00, s5;
	[dreg:$0x6] =	wrdreg s0  }
0x14: {  	s6 =	sshrl.u32 s6, $0x3;
	s3 =	simm.s32 $0x14780;
	[dreg:$0x3] =	wrdreg s26  }
0x15: {  	s26 =	simm.s32 $0x14280;
	s0 =	simm.s32 $0x14700;
	[dreg:$0x8] =	wrdreg s6  }
.LBB2_1:
0x16: {  	[dreg:$0x9] =	wrdreg s8  }
0x17: {  	s5 =	rddreg [dreg:$0x4]  }
0x18: {  	[spmem:s6], [sflag:s7] =	dma.local [hbm:s5], $0x2800  }
0x19: {  	_ =	swait.ge [sflag:s11], $0x2800  }
0x1a: {  	[sflag:s11] =	ssyncset.done $0x0  }
0x1b: {  	[sflag:s11] =	ssyncadd.s32 $0xFFFFD800  }
0x1c: {  	s8 =	sadd.s32 $0x0, s9;
	[bflag:$0x0] =	sbarrier.arrive $0xFFFF  }
0x1d: {  	[tilespmem:s12], [sflag:$0x3] =	stream.linear.gather [hbm4b:s8+s2], $0x400, $0x38;
	[tilespmem:$0x1C800] =	vst v63  }
0x1e: {  	_ =	swait.ge [sflag:s11], $0x400  }
0x1f: {  	s10 =	rddreg [dreg:$0x3];
	[sflag:s11] =	ssyncset.done $0x0  }
0x20: {  	[sflag:s11] =	ssyncadd.s32 $0xFFFFFC00;
	s6 =	sadd.s32 $0x0, s10  }
0x21: {  	[tilespmem:s13], [sflag:$0x3] =	stream.linear.gather [hbm4b:s6+s2], $0x400, $0x38;
	[tilespmem:$0x1C800] =	vst v63  }
0x22: {  	_ =	swait.ge [sflag:s11], $0x400  }
0x23: {  	[sflag:s11] =	ssyncset.done $0x0  }
0x24: {  	[sflag:s11] =	ssyncadd.s32 $0xFFFFFC00  }
0x25: {  	[tilespmem:s15], [sflag:$0x1] =	stream.indirect.gather [hbm4b:s4+s14], $0x80, s12, s14, $0xb8;
	[tilespmem:$0x1C800] =	vst v63  }
0x26: {  	_ = 	snop  }
0x27: {  	[tilespmem:s17], [sflag:$0x2] =	stream.indirect.gather [hbm4b:s4+s14], $0x80, s16, s14, $0xb8;
	[tilespmem:$0x1C800] =	vst v63  }
0x28: {  	_ =	swait.ge [sflag:s18], $0x4000  }
0x29: {  	[sflag:s18] =	ssyncset.done $0x0  }
0x2a: {  	[sflag:s18] =	ssyncadd.s32 $0xFFFFC000  }
0x2b: {  	[spmem:s1] =	stream.indirect.scatter.add.f32 [tilespmem:s15], [sflag:$0x3], $0x80, s13, s14, $0xb8;
	[tilespmem:$0x1C800] =	vst v63  }
0x2c: {  	_ =	swait.ge [sflag:s11], $0x4000  }
0x2d: {  	[sflag:s11] =	ssyncset.done $0x0  }
0x2e: {  	[sflag:s11] =	ssyncadd.s32 $0xFFFFC000  }
0x2f: {  	[tilespmem:s15], [sflag:$0x1] =	stream.indirect.gather [hbm4b:s4+s14], $0x80, s19, s14, $0xb8;
	[tilespmem:$0x1C800] =	vst v63  }
0x30: {  	_ =	swait.ge [sflag:s20], $0x4000  }
0x31: {  	[sflag:s20] =	ssyncset.done $0x0  }
0x32: {  	[sflag:s20] =	ssyncadd.s32 $0xFFFFC000  }
0x33: {  	[spmem:s1] =	stream.indirect.scatter.add.f32 [tilespmem:s17], [sflag:$0x3], $0x80, s21, s14, $0xb8;
	[tilespmem:$0x1C800] =	vst v63  }
0x34: {  	_ =	swait.ge [sflag:s11], $0x4000  }
0x35: {  	[sflag:s11] =	ssyncset.done $0x0  }
0x36: {  	[sflag:s11] =	ssyncadd.s32 $0xFFFFC000  }
0x37: {  	[tilespmem:s17], [sflag:$0x2] =	stream.indirect.gather [hbm4b:s4+s14], $0x80, s22, s14, $0xb8;
	[tilespmem:$0x1C800] =	vst v63  }
0x38: {  	_ =	swait.ge [sflag:s18], $0x4000  }
0x39: {  	[sflag:s18] =	ssyncset.done $0x0  }
0x3a: {  	[sflag:s18] =	ssyncadd.s32 $0xFFFFC000  }
0x3b: {  	[spmem:s1] =	stream.indirect.scatter.add.f32 [tilespmem:s15], [sflag:$0x3], $0x80, s23, s14, $0xb8;
	[tilespmem:$0x1C800] =	vst v63  }
0x3c: {  	_ =	swait.ge [sflag:s11], $0x4000  }
0x3d: {  	[sflag:s11] =	ssyncset.done $0x0  }
0x3e: {  	[sflag:s11] =	ssyncadd.s32 $0xFFFFC000  }
0x3f: {  	[tilespmem:s15], [sflag:$0x1] =	stream.indirect.gather [hbm4b:s4+s14], $0x80, s24, s14, $0xb8;
	[tilespmem:$0x1C800] =	vst v63  }
0x40: {  	_ =	swait.ge [sflag:s20], $0x4000  }
0x41: {  	[sflag:s20] =	ssyncset.done $0x0  }
0x42: {  	[sflag:s20] =	ssyncadd.s32 $0xFFFFC000  }
0x43: {  	[spmem:s1] =	stream.indirect.scatter.add.f32 [tilespmem:s17], [sflag:$0x3], $0x80, s25, s14, $0xb8;
	[tilespmem:$0x1C800] =	vst v63  }
0x44: {  	_ =	swait.ge [sflag:s11], $0x4000  }
0x45: {  	[sflag:s11] =	ssyncset.done $0x0  }
0x46: {  	[sflag:s11] =	ssyncadd.s32 $0xFFFFC000  }
0x47: {  	[tilespmem:s17], [sflag:$0x2] =	stream.indirect.gather [hbm4b:s4+s14], $0x80, s26, s14, $0xb8;
	[tilespmem:$0x1C800] =	vst v63  }
0x48: {  	_ =	swait.ge [sflag:s18], $0x4000  }
0x49: {  	[sflag:s18] =	ssyncset.done $0x0  }
0x4a: {  	[sflag:s18] =	ssyncadd.s32 $0xFFFFC000  }
0x4b: {  	[spmem:s1] =	stream.indirect.scatter.add.f32 [tilespmem:s15], [sflag:$0x3], $0x80, s28, s14, $0xb8;
	[tilespmem:$0x1C800] =	vst v63  }
0x4c: {  	_ =	swait.ge [sflag:s11], $0x4000  }
0x4d: {  	[sflag:s11] =	ssyncset.done $0x0  }
0x4e: {  	[sflag:s11] =	ssyncadd.s32 $0xFFFFC000  }
0x4f: {  	[tilespmem:s15], [sflag:$0x1] =	stream.indirect.gather [hbm4b:s4+s14], $0x80, s29, s14, $0xb8;
	[tilespmem:$0x1C800] =	vst v63  }
0x50: {  	_ =	swait.ge [sflag:s20], $0x4000  }
0x51: {  	[sflag:s20] =	ssyncset.done $0x0  }
0x52: {  	[sflag:s20] =	ssyncadd.s32 $0xFFFFC000  }
0x53: {  	[spmem:s1] =	stream.indirect.scatter.add.f32 [tilespmem:s17], [sflag:$0x3], $0x80, s30, s14, $0xb8;
	[tilespmem:$0x1C800] =	vst v63  }
0x54: {  	_ =	swait.ge [sflag:s11], $0x4000  }
0x55: {  	[sflag:s11] =	ssyncset.done $0x0  }
0x56: {  	[sflag:s11] =	ssyncadd.s32 $0xFFFFC000  }
0x57: {  	[tilespmem:s17], [sflag:$0x2] =	stream.indirect.gather [hbm4b:s4+s14], $0x80, s31, s14, $0xb8;
	[tilespmem:$0x1C800] =	vst v63  }
0x58: {  	_ =	swait.ge [sflag:s18], $0x4000  }
0x59: {  	[sflag:s18] =	ssyncset.done $0x0  }
0x5a: {  	[sflag:s18] =	ssyncadd.s32 $0xFFFFC000  }
0x5b: {  	[spmem:s1] =	stream.indirect.scatter.add.f32 [tilespmem:s15], [sflag:$0x3], $0x80, s0, s14, $0xb8;
	[tilespmem:$0x1C800] =	vst v63  }
0x5c: {  	_ =	swait.ge [sflag:s11], $0x4000  }
0x5d: {  	[sflag:s11] =	ssyncset.done $0x0  }
0x5e: {  	[sflag:s11] =	ssyncadd.s32 $0xFFFFC000  }
0x5f: {  	_ =	swait.ge [sflag:s20], $0x4000  }
0x60: {  	[sflag:s20] =	ssyncset.done $0x0  }
0x61: {  	[sflag:s20] =	ssyncadd.s32 $0xFFFFC000  }
0x62: {  	[spmem:s1] =	stream.indirect.scatter.add.f32 [tilespmem:s17], [sflag:$0x3], $0x80, s3, s14, $0xb8;
	[tilespmem:$0x1C800] =	vst v63  }
0x63: {  	_ =	swait.ge [sflag:s11], $0x4000  }
0x64: {  	s7 =	simm.s32 $0x80;
	s8 =	simm.s32 $0x100;
	[sflag:s11] =	ssyncset.done $0x0  }
.LBB2_2:
0x65: {  	s10 =	sadd.s32 s7, s9;
	[sflag:s11] =	ssyncadd.s32 $0xFFFFC000  }
0x66: {  	[tilespmem:s12], [sflag:$0x3] =	stream.linear.gather [hbm4b:s10+s2], $0x400, $0x38;
	[tilespmem:$0x1C800] =	vst v63  }
0x67: {  	s5 =	smov.u32 s8;
	_ =	swait.ge [sflag:s11], $0x400  }
0x68: {  	s6 =	sadd.s32 $0x80, s8;
	s10 =	rddreg [dreg:$0x3];
	[sflag:s11] =	ssyncset.done $0x0  }
0x69: {  	p0 =	sne.s32 s8, $0x480;
	[sflag:s11] =	ssyncadd.s32 $0xFFFFFC00;
	s8 =	sadd.s32 s7, s10  }
0x6a: {  	[tilespmem:s13], [sflag:$0x3] =	stream.linear.gather [hbm4b:s8+s2], $0x400, $0x38;
	[tilespmem:$0x1C800] =	vst v63  }
0x6b: {  	_ =	swait.ge [sflag:s11], $0x400  }
0x6c: {  	[sflag:s11] =	ssyncset.done $0x0  }
0x6d: {  	[sflag:s11] =	ssyncadd.s32 $0xFFFFFC00  }
0x6e: {  	[tilespmem:s15], [sflag:$0x1] =	stream.indirect.gather [hbm4b:s4+s14], $0x80, s12, s14, $0xb8;
	[tilespmem:$0x1C800] =	vst v63  }
0x6f: {  	_ = 	snop  }
0x70: {  	[tilespmem:s17], [sflag:$0x2] =	stream.indirect.gather [hbm4b:s4+s14], $0x80, s16, s14, $0xb8;
	[tilespmem:$0x1C800] =	vst v63  }
0x71: {  	_ =	swait.ge [sflag:s18], $0x4000  }
0x72: {  	[sflag:s18] =	ssyncset.done $0x0  }
0x73: {  	[sflag:s18] =	ssyncadd.s32 $0xFFFFC000  }
0x74: {  	[spmem:s1] =	stream.indirect.scatter.add.f32 [tilespmem:s15], [sflag:$0x3], $0x80, s13, s14, $0xb8;
	[tilespmem:$0x1C800] =	vst v63  }
0x75: {  	_ =	swait.ge [sflag:s11], $0x4000  }
0x76: {  	[sflag:s11] =	ssyncset.done $0x0  }
0x77: {  	[sflag:s11] =	ssyncadd.s32 $0xFFFFC000  }
0x78: {  	[tilespmem:s15], [sflag:$0x1] =	stream.indirect.gather [hbm4b:s4+s14], $0x80, s19, s14, $0xb8;
	[tilespmem:$0x1C800] =	vst v63  }
0x79: {  	_ =	swait.ge [sflag:s20], $0x4000  }
0x7a: {  	[sflag:s20] =	ssyncset.done $0x0  }
0x7b: {  	[sflag:s20] =	ssyncadd.s32 $0xFFFFC000  }
0x7c: {  	[spmem:s1] =	stream.indirect.scatter.add.f32 [tilespmem:s17], [sflag:$0x3], $0x80, s21, s14, $0xb8;
	[tilespmem:$0x1C800] =	vst v63  }
0x7d: {  	_ =	swait.ge [sflag:s11], $0x4000  }
0x7e: {  	[sflag:s11] =	ssyncset.done $0x0  }
0x7f: {  	[sflag:s11] =	ssyncadd.s32 $0xFFFFC000  }
0x80: {  	[tilespmem:s17], [sflag:$0x2] =	stream.indirect.gather [hbm4b:s4+s14], $0x80, s22, s14, $0xb8;
	[tilespmem:$0x1C800] =	vst v63  }
0x81: {  	_ =	swait.ge [sflag:s18], $0x4000  }
0x82: {  	[sflag:s18] =	ssyncset.done $0x0  }
0x83: {  	[sflag:s18] =	ssyncadd.s32 $0xFFFFC000  }
0x84: {  	[spmem:s1] =	stream.indirect.scatter.add.f32 [tilespmem:s15], [sflag:$0x3], $0x80, s23, s14, $0xb8;
	[tilespmem:$0x1C800] =	vst v63  }
0x85: {  	_ =	swait.ge [sflag:s11], $0x4000  }
0x86: {  	[sflag:s11] =	ssyncset.done $0x0  }
0x87: {  	[sflag:s11] =	ssyncadd.s32 $0xFFFFC000  }
0x88: {  	[tilespmem:s15], [sflag:$0x1] =	stream.indirect.gather [hbm4b:s4+s14], $0x80, s24, s14, $0xb8;
	[tilespmem:$0x1C800] =	vst v63  }
0x89: {  	_ =	swait.ge [sflag:s20], $0x4000  }
0x8a: {  	[sflag:s20] =	ssyncset.done $0x0  }
0x8b: {  	[sflag:s20] =	ssyncadd.s32 $0xFFFFC000  }
0x8c: {  	[spmem:s1] =	stream.indirect.scatter.add.f32 [tilespmem:s17], [sflag:$0x3], $0x80, s25, s14, $0xb8;
	[tilespmem:$0x1C800] =	vst v63  }
0x8d: {  	_ =	swait.ge [sflag:s11], $0x4000  }
0x8e: {  	[sflag:s11] =	ssyncset.done $0x0  }
0x8f: {  	[sflag:s11] =	ssyncadd.s32 $0xFFFFC000  }
0x90: {  	[tilespmem:s17], [sflag:$0x2] =	stream.indirect.gather [hbm4b:s4+s14], $0x80, s26, s14, $0xb8;
	[tilespmem:$0x1C800] =	vst v63  }
0x91: {  	_ =	swait.ge [sflag:s18], $0x4000  }
0x92: {  	[sflag:s18] =	ssyncset.done $0x0  }
0x93: {  	[sflag:s18] =	ssyncadd.s32 $0xFFFFC000  }
0x94: {  	[spmem:s1] =	stream.indirect.scatter.add.f32 [tilespmem:s15], [sflag:$0x3], $0x80, s28, s14, $0xb8;
	[tilespmem:$0x1C800] =	vst v63  }
0x95: {  	_ =	swait.ge [sflag:s11], $0x4000  }
0x96: {  	[sflag:s11] =	ssyncset.done $0x0  }
0x97: {  	[sflag:s11] =	ssyncadd.s32 $0xFFFFC000  }
0x98: {  	[tilespmem:s15], [sflag:$0x1] =	stream.indirect.gather [hbm4b:s4+s14], $0x80, s29, s14, $0xb8;
	[tilespmem:$0x1C800] =	vst v63  }
0x99: {  	_ =	swait.ge [sflag:s20], $0x4000  }
0x9a: {  	[sflag:s20] =	ssyncset.done $0x0  }
0x9b: {  	[sflag:s20] =	ssyncadd.s32 $0xFFFFC000  }
0x9c: {  	[spmem:s1] =	stream.indirect.scatter.add.f32 [tilespmem:s17], [sflag:$0x3], $0x80, s30, s14, $0xb8;
	[tilespmem:$0x1C800] =	vst v63  }
0x9d: {  	_ =	swait.ge [sflag:s11], $0x4000  }
0x9e: {  	[sflag:s11] =	ssyncset.done $0x0  }
0x9f: {  	[sflag:s11] =	ssyncadd.s32 $0xFFFFC000  }
0xa0: {  	[tilespmem:s17], [sflag:$0x2] =	stream.indirect.gather [hbm4b:s4+s14], $0x80, s31, s14, $0xb8;
	[tilespmem:$0x1C800] =	vst v63  }
0xa1: {  	_ =	swait.ge [sflag:s18], $0x4000  }
0xa2: {  	[sflag:s18] =	ssyncset.done $0x0  }
0xa3: {  	[sflag:s18] =	ssyncadd.s32 $0xFFFFC000  }
0xa4: {  	[spmem:s1] =	stream.indirect.scatter.add.f32 [tilespmem:s15], [sflag:$0x3], $0x80, s0, s14, $0xb8;
	[tilespmem:$0x1C800] =	vst v63  }
0xa5: {  	_ =	swait.ge [sflag:s11], $0x4000  }
0xa6: {  	[sflag:s11] =	ssyncset.done $0x0  }
0xa7: {  	[sflag:s11] =	ssyncadd.s32 $0xFFFFC000  }
0xa8: {  	_ =	swait.ge [sflag:s20], $0x4000  }
.Ltmp0:
0xa9: {  	[sflag:s20] =	ssyncset.done $0x0;
	(pc) =	sbr.rel @p0 .LBB2_2-.Ltmp0, $4  }
0xaa: {  	[sflag:s20] =	ssyncadd.s32 $0xFFFFC000  }
0xab: {  	[spmem:s1] =	stream.indirect.scatter.add.f32 [tilespmem:s17], [sflag:$0x3], $0x80, s3, s14, $0xb8;
	[tilespmem:$0x1C800] =	vst v63  }
0xac: {  	_ =	swait.ge [sflag:s11], $0x4000  }
0xad: {  	s7 =	smov.u32 s5;
	s8 =	smov.u32 s6;
	[sflag:s11] =	ssyncset.done $0x0  }
0xae: {  	s5 =	sadd.s32 s7, s9;
	[sflag:s11] =	ssyncadd.s32 $0xFFFFC000  }
0xaf: {  	[tilespmem:s12], [sflag:$0x3] =	stream.linear.gather [hbm4b:s5+s2], $0x400, $0x38;
	[tilespmem:$0x1C800] =	vst v63  }
0xb0: {  	_ =	swait.ge [sflag:s11], $0x400  }
0xb1: {  	s6 =	rddreg [dreg:$0x3];
	[sflag:s11] =	ssyncset.done $0x0  }
0xb2: {  	s5 =	sadd.s32 s7, s6;
	[sflag:s11] =	ssyncadd.s32 $0xFFFFFC00  }
0xb3: {  	[tilespmem:s13], [sflag:$0x3] =	stream.linear.gather [hbm4b:s5+s2], $0x400, $0x38;
	[tilespmem:$0x1C800] =	vst v63  }
0xb4: {  	_ =	swait.ge [sflag:s11], $0x400  }
0xb5: {  	[sflag:s11] =	ssyncset.done $0x0  }
0xb6: {  	[sflag:s11] =	ssyncadd.s32 $0xFFFFFC00  }
0xb7: {  	[tilespmem:s15], [sflag:$0x1] =	stream.indirect.gather [hbm4b:s4+s14], $0x80, s12, s14, $0xb8;
	[tilespmem:$0x1C800] =	vst v63  }
0xb8: {  	_ = 	snop  }
0xb9: {  	[tilespmem:s17], [sflag:$0x2] =	stream.indirect.gather [hbm4b:s4+s14], $0x80, s16, s14, $0xb8;
	[tilespmem:$0x1C800] =	vst v63  }
0xba: {  	_ =	swait.ge [sflag:s18], $0x4000  }
0xbb: {  	[sflag:s18] =	ssyncset.done $0x0  }
0xbc: {  	[sflag:s18] =	ssyncadd.s32 $0xFFFFC000  }
0xbd: {  	[spmem:s1] =	stream.indirect.scatter.add.f32 [tilespmem:s15], [sflag:$0x3], $0x80, s13, s14, $0xb8;
	[tilespmem:$0x1C800] =	vst v63  }
0xbe: {  	_ =	swait.ge [sflag:s11], $0x4000  }
0xbf: {  	[sflag:s11] =	ssyncset.done $0x0  }
0xc0: {  	[sflag:s11] =	ssyncadd.s32 $0xFFFFC000  }
0xc1: {  	[tilespmem:s15], [sflag:$0x1] =	stream.indirect.gather [hbm4b:s4+s14], $0x80, s19, s14, $0xb8;
	[tilespmem:$0x1C800] =	vst v63  }
0xc2: {  	_ =	swait.ge [sflag:s20], $0x4000  }
0xc3: {  	[sflag:s20] =	ssyncset.done $0x0  }
0xc4: {  	[sflag:s20] =	ssyncadd.s32 $0xFFFFC000  }
0xc5: {  	[spmem:s1] =	stream.indirect.scatter.add.f32 [tilespmem:s17], [sflag:$0x3], $0x80, s21, s14, $0xb8;
	[tilespmem:$0x1C800] =	vst v63  }
0xc6: {  	_ =	swait.ge [sflag:s11], $0x4000  }
0xc7: {  	[sflag:s11] =	ssyncset.done $0x0  }
0xc8: {  	[sflag:s11] =	ssyncadd.s32 $0xFFFFC000  }
0xc9: {  	[tilespmem:s17], [sflag:$0x2] =	stream.indirect.gather [hbm4b:s4+s14], $0x80, s22, s14, $0xb8;
	[tilespmem:$0x1C800] =	vst v63  }
0xca: {  	_ =	swait.ge [sflag:s18], $0x4000  }
0xcb: {  	[sflag:s18] =	ssyncset.done $0x0  }
0xcc: {  	[sflag:s18] =	ssyncadd.s32 $0xFFFFC000  }
0xcd: {  	[spmem:s1] =	stream.indirect.scatter.add.f32 [tilespmem:s15], [sflag:$0x3], $0x80, s23, s14, $0xb8;
	[tilespmem:$0x1C800] =	vst v63  }
0xce: {  	_ =	swait.ge [sflag:s11], $0x4000  }
0xcf: {  	[sflag:s11] =	ssyncset.done $0x0  }
0xd0: {  	[sflag:s11] =	ssyncadd.s32 $0xFFFFC000  }
0xd1: {  	[tilespmem:s15], [sflag:$0x1] =	stream.indirect.gather [hbm4b:s4+s14], $0x80, s24, s14, $0xb8;
	[tilespmem:$0x1C800] =	vst v63  }
0xd2: {  	_ =	swait.ge [sflag:s20], $0x4000  }
0xd3: {  	[sflag:s20] =	ssyncset.done $0x0  }
0xd4: {  	[sflag:s20] =	ssyncadd.s32 $0xFFFFC000  }
0xd5: {  	[spmem:s1] =	stream.indirect.scatter.add.f32 [tilespmem:s17], [sflag:$0x3], $0x80, s25, s14, $0xb8;
	[tilespmem:$0x1C800] =	vst v63  }
0xd6: {  	_ =	swait.ge [sflag:s11], $0x4000  }
0xd7: {  	[sflag:s11] =	ssyncset.done $0x0  }
0xd8: {  	[sflag:s11] =	ssyncadd.s32 $0xFFFFC000  }
0xd9: {  	[tilespmem:s17], [sflag:$0x2] =	stream.indirect.gather [hbm4b:s4+s14], $0x80, s26, s14, $0xb8;
	[tilespmem:$0x1C800] =	vst v63  }
0xda: {  	_ =	swait.ge [sflag:s18], $0x4000  }
0xdb: {  	[sflag:s18] =	ssyncset.done $0x0  }
0xdc: {  	[sflag:s18] =	ssyncadd.s32 $0xFFFFC000  }
0xdd: {  	[spmem:s1] =	stream.indirect.scatter.add.f32 [tilespmem:s15], [sflag:$0x3], $0x80, s28, s14, $0xb8;
	[tilespmem:$0x1C800] =	vst v63  }
0xde: {  	_ =	swait.ge [sflag:s11], $0x4000  }
0xdf: {  	[sflag:s11] =	ssyncset.done $0x0  }
0xe0: {  	[sflag:s11] =	ssyncadd.s32 $0xFFFFC000  }
0xe1: {  	[tilespmem:s15], [sflag:$0x1] =	stream.indirect.gather [hbm4b:s4+s14], $0x80, s29, s14, $0xb8;
	[tilespmem:$0x1C800] =	vst v63  }
0xe2: {  	_ =	swait.ge [sflag:s20], $0x4000  }
0xe3: {  	[sflag:s20] =	ssyncset.done $0x0  }
0xe4: {  	[sflag:s20] =	ssyncadd.s32 $0xFFFFC000  }
0xe5: {  	[spmem:s1] =	stream.indirect.scatter.add.f32 [tilespmem:s17], [sflag:$0x3], $0x80, s30, s14, $0xb8;
	[tilespmem:$0x1C800] =	vst v63  }
0xe6: {  	_ =	swait.ge [sflag:s11], $0x4000  }
0xe7: {  	[sflag:s11] =	ssyncset.done $0x0  }
0xe8: {  	[sflag:s11] =	ssyncadd.s32 $0xFFFFC000  }
0xe9: {  	[tilespmem:s17], [sflag:$0x2] =	stream.indirect.gather [hbm4b:s4+s14], $0x80, s31, s14, $0xb8;
	[tilespmem:$0x1C800] =	vst v63  }
0xea: {  	_ =	swait.ge [sflag:s18], $0x4000  }
0xeb: {  	[sflag:s18] =	ssyncset.done $0x0  }
0xec: {  	[sflag:s18] =	ssyncadd.s32 $0xFFFFC000  }
0xed: {  	[spmem:s1] =	stream.indirect.scatter.add.f32 [tilespmem:s15], [sflag:$0x3], $0x80, s0, s14, $0xb8;
	[tilespmem:$0x1C800] =	vst v63  }
0xee: {  	_ =	swait.ge [sflag:s11], $0x4000  }
0xef: {  	[sflag:s11] =	ssyncset.done $0x0  }
0xf0: {  	[sflag:s11] =	ssyncadd.s32 $0xFFFFC000  }
0xf1: {  	_ =	swait.ge [sflag:s20], $0x4000  }
0xf2: {  	[sflag:s20] =	ssyncset.done $0x0  }
0xf3: {  	[sflag:s20] =	ssyncadd.s32 $0xFFFFC000  }
0xf4: {  	[spmem:s1] =	stream.indirect.scatter.add.f32 [tilespmem:s17], [sflag:$0x3], $0x80, s3, s14, $0xb8;
	[tilespmem:$0x1C800] =	vst v63  }
0xf5: {  	_ =	swait.ge [sflag:s11], $0x4000  }
0xf6: {  	[sflag:s11] =	ssyncset.done $0x0  }
0xf7: {  	[sflag:s11] =	ssyncadd.s32 $0xFFFFC000  }
0xf8: {  	[bflag:$0x0] =	sbarrier.arrive $0xFFFF  }
0xf9: {  	s7 =	rddreg [dreg:$0x5]  }
0xfa: {  	s8 =	rddreg [dreg:$0x6]  }
0xfb: {  	s6 =	rddreg [dreg:$0x8]  }
0xfc: {  	[hbm:s8], [sflag:s7] =	dma.local [spmem:s6], $0x2800  }
0xfd: {  	_ =	swait.ge [sflag:s11], $0x2800  }
0xfe: {  	s8 =	rddreg [dreg:$0x9]  }
0xff: {  	s10 =	rddreg [dreg:$0x7];
	s8 =	sadd.s32 $0x1, s8  }
0x100: {  	p0 =	sne.s32 s8, s10  }
.Ltmp1:
0x101: {  	_ = 	snop;
	(pc) =	sbr.rel @p0 .LBB2_1-.Ltmp1, $3  }
0x102: {  	_ =	sdelay $0x1  }
0x103: {  	[sflag:s11] =	ssyncset.done $0x0  }
0x104: {  	[sflag:s11] =	ssyncadd.s32 $0xFFFFD800  }
0x105: {  	_ =	sfence.sel $0x180000  }
0x106: {  	[bflag:$0x0] =	sbarrier.arrive $0xFFFF  }
0x107: {  	_ =	strace $0x9000004A  }
0x108: {  	s0 =	stileid.u32;
	[bflag:$0x2] =	sbarrier.arrive $0xFFFF  }
0x109: {  	p0 =	sne.s32 s0, $0x0;
	s0 =	rddreg [dreg:$0x2]  }
0x10a: {  	s0 =	sadd.s32 @!p0 $0x100000, s0  }
0x10b: {  	[sflag:s0] =	ssyncadd.tile.s32 @!p0 $0x1;
	_ =	shalt  }
.Lfunc_end2:
_tile_overlayer_lowered:
.L_overlay_start_2:
0x10c: {  	(tag) =	ssettag $0x2  }
0x10d: {  	s0 =	rddreg [dreg:$0x0];
	s2 =	stileid.u32  }
0x10e: {  	s1 =	rddreg [dreg:$0x1];
	p0 =	sne.s32 s2, $0x0  }
0x10f: {  	s3 =	rddreg [dreg:$0x2];
	[bflag:$0x3] =	sbarrier.arrive $0xFFFF;
	s2 =	simm.s32 @!p0 $0x1C03  }
0x110: {  	[timem:s3], [sflag:s2] =	dma.local @!p0 [hbm:s0], s1  }
0x111: {  	s0 =	simm.s32 @!p0 $0x3  }
0x112: {  	_ =	swait.ge @!p0 [sflag:s0], s1  }
0x113: {  	s1 =	ssub.s32 @!p0 $0x0, s1;
	[sflag:s0] =	ssyncset.done @!p0 $0x0  }
0x114: {  	[sflag:s0] =	ssyncadd.s32 @!p0 s1  }
0x115: {  	[bflag:$0x3] =	sbarrier.arrive $0xFFFF  }
0x116: {  	_ =	shalt  }

</sc_bundles>
